<compile_context>
chip_gen: v7x
topology: tpu7x:2x2x1
jax: 0.10.2.dev20260603
libtpu: 0.0.44.dev20260713+nightly
codegen_flags: <defaults>
</compile_context>

<pallas_src>
import functools

import jax
import jax.numpy as jnp
from jax import lax
from jax.experimental import pallas as pl
from jax.experimental.pallas import tpu as pltpu
from jax.experimental.pallas import tpu_sc as plsc

_N_EDGES = 320000
_N_NODES = 10000
_EDGE_DIM = 128
_NRAD_PAD = 8

_NC = 2
_NS = 16
_EDGES_PER_TILE = _N_EDGES // (_NC * _NS)
_CHUNK = 80
_STEPS = _EDGES_PER_TILE // _CHUNK
_ZRT = 624
_ZRT_LAST = _N_NODES - (_NS - 1) * _ZRT

_EB = 8000
_NB = 2000



def _gate_body(rbf_ref, x_ref, wT_ref, h_ref):
    g = jnp.dot(rbf_ref[...], wT_ref[...], preferred_element_type=jnp.float32)
    h_ref[...] = g * x_ref[...]


def _edge_gate(rbf8, x, w8T):
    return pl.pallas_call(
        _gate_body,
        grid=(_N_EDGES // _EB,),
        in_specs=[
            pl.BlockSpec((_EB, _NRAD_PAD), lambda i: (i, 0)),
            pl.BlockSpec((_EB, _EDGE_DIM), lambda i: (i, 0)),
            pl.BlockSpec((_NRAD_PAD, _EDGE_DIM), lambda i: (0, 0)),
        ],
        out_specs=pl.BlockSpec((_EB, _EDGE_DIM), lambda i: (i, 0)),
        out_shape=jax.ShapeDtypeStruct((_N_EDGES, _EDGE_DIM), jnp.float32),
    )(rbf8, x, w8T)



def _sc_scatter(h, idx, zrows):
    mesh = plsc.VectorSubcoreMesh(core_axis_name="c", subcore_axis_name="s")

    @functools.partial(
        pl.kernel,
        mesh=mesh,
        out_type=(
            jax.ShapeDtypeStruct((_N_NODES, _EDGE_DIM), jnp.float32),
            jax.ShapeDtypeStruct((_N_NODES, _EDGE_DIM), jnp.float32),
        ),
        scratch_types=[
            pltpu.VMEM((_CHUNK, _EDGE_DIM), jnp.float32),
            pltpu.VMEM((_CHUNK, _EDGE_DIM), jnp.float32),
            pltpu.VMEM((_CHUNK,), jnp.int32),
            pltpu.VMEM((_CHUNK,), jnp.int32),
            pltpu.VMEM_SHARED((_N_NODES, _EDGE_DIM), jnp.float32),
            pltpu.SemaphoreType.DMA,
            pltpu.SemaphoreType.DMA,
        ],
    )
    def scat(h_hbm, idx_hbm, z_hbm, out0_hbm, out1_hbm, h_a, h_b, i_a, i_b,
             s_sh, sem_a, sem_b):
        c = lax.axis_index("c")
        s = lax.axis_index("s")
        base = (c * _NS + s) * _EDGES_PER_TILE

        def _fetch(k, hv, iv, sem):
            off = base + k * _CHUNK
            pltpu.async_copy(h_hbm.at[pl.ds(off, _CHUNK)], hv, sem)
            pltpu.async_copy(idx_hbm.at[pl.ds(off, _CHUNK)], iv, sem)

        def _drain(hv, iv, sem):
            pltpu.make_async_copy(h_hbm.at[pl.ds(0, _CHUNK)], hv, sem).wait()
            pltpu.make_async_copy(idx_hbm.at[pl.ds(0, _CHUNK)], iv, sem).wait()
        r0 = s * _ZRT

        @pl.when(s < _NS - 1)
        def _():
            pltpu.sync_copy(z_hbm.at[pl.ds(0, _ZRT)], s_sh.at[pl.ds(r0, _ZRT)])

        @pl.when(s == _NS - 1)
        def _():
            pltpu.sync_copy(
                z_hbm, s_sh.at[pl.ds((_NS - 1) * _ZRT, _ZRT_LAST)])

        plsc.subcore_barrier()

        _fetch(0, h_a, i_a, sem_a)

        def body(k, carry):
            c0 = 2 * k
            _fetch(c0 + 1, h_b, i_b, sem_b)
            _drain(h_a, i_a, sem_a)
            pltpu.sync_copy(h_a, s_sh.at[i_a], add=True)
            _fetch(c0 + 2, h_a, i_a, sem_a)
            _drain(h_b, i_b, sem_b)
            pltpu.sync_copy(h_b, s_sh.at[i_b], add=True)
            return carry

        lax.fori_loop(0, (_STEPS - 1) // 2, body, 0)
        _drain(h_a, i_a, sem_a)
        pltpu.sync_copy(h_a, s_sh.at[i_a], add=True)
        plsc.subcore_barrier()

        @pl.when(s < _NS - 1)
        def _():
            @pl.when(c == 0)
            def _():
                pltpu.sync_copy(s_sh.at[pl.ds(r0, _ZRT)],
                                out0_hbm.at[pl.ds(r0, _ZRT)])

            @pl.when(c == 1)
            def _():
                pltpu.sync_copy(s_sh.at[pl.ds(r0, _ZRT)],
                                out1_hbm.at[pl.ds(r0, _ZRT)])

        @pl.when(s == _NS - 1)
        def _():
            @pl.when(c == 0)
            def _():
                pltpu.sync_copy(
                    s_sh.at[pl.ds((_NS - 1) * _ZRT, _ZRT_LAST)],
                    out0_hbm.at[pl.ds((_NS - 1) * _ZRT, _ZRT_LAST)])

            @pl.when(c == 1)
            def _():
                pltpu.sync_copy(
                    s_sh.at[pl.ds((_NS - 1) * _ZRT, _ZRT_LAST)],
                    out1_hbm.at[pl.ds((_NS - 1) * _ZRT, _ZRT_LAST)])

    return scat(h, idx, zrows)



def _sigmoid(v):
    return 1.0 / (1.0 + jnp.exp(-v))


def _mlp_body(s0_ref, s1_ref, w0_ref, b0_ref, w1_ref, b1_ref, w2_ref, b2_ref,
              wo_ref, o_ref):
    z = s0_ref[...] + s1_ref[...]
    z = jnp.dot(z, w0_ref[...], preferred_element_type=jnp.float32) + b0_ref[...]
    z = z * _sigmoid(z)
    z = jnp.dot(z, w1_ref[...], preferred_element_type=jnp.float32) + b1_ref[...]
    z = z * _sigmoid(z)
    z = jnp.dot(z, w2_ref[...], preferred_element_type=jnp.float32) + b2_ref[...]
    z = z * _sigmoid(z)
    o_ref[...] = jnp.dot(z, wo_ref[...], preferred_element_type=jnp.float32)


def _node_mlp(s0, s1, w0T, b0, w1T, b1, w2T, b2, woT):
    full = lambda r, c: pl.BlockSpec((r, c), lambda i: (0, 0))
    return pl.pallas_call(
        _mlp_body,
        grid=(_N_NODES // _NB,),
        in_specs=[
            pl.BlockSpec((_NB, _EDGE_DIM), lambda i: (i, 0)),
            pl.BlockSpec((_NB, _EDGE_DIM), lambda i: (i, 0)),
            full(_EDGE_DIM, _EDGE_DIM), full(1, _EDGE_DIM),
            full(_EDGE_DIM, _EDGE_DIM), full(1, _EDGE_DIM),
            full(_EDGE_DIM, _EDGE_DIM), full(1, _EDGE_DIM),
            full(_EDGE_DIM, 1),
        ],
        out_specs=pl.BlockSpec((_NB, 1), lambda i: (i, 0)),
        out_shape=jax.ShapeDtypeStruct((_N_NODES, 1), jnp.float32),
    )(s0, s1, w0T, b0, w1T, b1, w2T, b2, woT)



def kernel(x, rbf, idx_i, num_nodes, W_rbf, W0, b0, W1, b1, W2, b2, W_out):
    rbf8 = jnp.pad(rbf, ((0, 0), (0, _NRAD_PAD - rbf.shape[1])))
    w8T = jnp.pad(W_rbf.T, ((0, _NRAD_PAD - rbf.shape[1]), (0, 0)))
    idx32 = jnp.minimum(idx_i, num_nodes - 1).astype(jnp.int32)
    zrows = jnp.zeros((_ZRT_LAST, _EDGE_DIM), jnp.float32)

    h = _edge_gate(rbf8, x, w8T)
    s0, s1 = _sc_scatter(h, idx32, zrows)
    out = _node_mlp(
        s0, s1,
        W0.T, b0.reshape(1, -1),
        W1.T, b1.reshape(1, -1),
        W2.T, b2.reshape(1, -1),
        W_out.T,
    )
    return out

# --- scband reference (transcript-rebuilt; emitter-appended) ---
"""Pipeline reference for scband-dime-net-out-block-48490180772448 (READ-ONLY COPY).

The authoritative reference and input builder live on the scoring server;
editing this copy changes nothing except your own understanding.
"""

import jax, jax.numpy as jnp
import numpy as np

N_EDGES = 320000
N_NODES = 10000
EDGE_DIM = 128
N_RAD = 6
OUT_DIM = 1


def _glorot(key, shape):
    fan_in, fan_out = shape[1], shape[0]
    scale = jnp.sqrt(2.0 / (fan_in + fan_out))
    return jax.random.normal(key, shape, dtype=jnp.float32) * scale


def setup_inputs(seed: int = 0) -> dict:
    key = jax.random.key(seed)
    ks = jax.random.split(key, 12)
    x = jax.random.normal(ks[0], (N_EDGES, EDGE_DIM), dtype=jnp.float32)
    rbf = jax.random.uniform(ks[1], (N_EDGES, N_RAD), dtype=jnp.float32)
    idx_i = jax.random.randint(ks[2], (N_EDGES,), 0, N_NODES, dtype=jnp.int64 if jax.config.jax_enable_x64 else jnp.int32)
    W_rbf = _glorot(ks[3], (EDGE_DIM, N_RAD))
    W0 = _glorot(ks[4], (EDGE_DIM, EDGE_DIM))
    b0 = jnp.zeros((EDGE_DIM,), dtype=jnp.float32)
    W1 = _glorot(ks[5], (EDGE_DIM, EDGE_DIM))
    b1 = jnp.zeros((EDGE_DIM,), dtype=jnp.float32)
    W2 = _glorot(ks[6], (EDGE_DIM, EDGE_DIM))
    b2 = jnp.zeros((EDGE_DIM,), dtype=jnp.float32)
    W_out = _glorot(ks[7], (OUT_DIM, EDGE_DIM))
    return {"x": x, "rbf": rbf, "idx_i": idx_i, "num_nodes": N_NODES,
            "W_rbf": W_rbf, "W0": W0, "b0": b0, "W1": W1, "b1": b1,
            "W2": W2, "b2": b2, "W_out": W_out}


def _swish(v):
    return v * jax.nn.sigmoid(v)


def reference(x, rbf, idx_i, num_nodes, W_rbf, W0, b0, W1, b1, W2, b2, W_out):
    # rbf_lin (no bias) applied to rbf, elementwise gate on edge embeddings
    h = (rbf @ W_rbf.T) * x  # (n_edge, edge_dim)
    # scatter-add aggregation to center nodes (aggr='add')
    idx = jnp.minimum(idx_i, num_nodes - 1).astype(idx_i.dtype)
    s = jax.ops.segment_sum(h, idx, num_segments=N_NODES)  # (n_node, edge_dim)
    # 3 x (Dense + Swish) then final Dense without bias
    s = _swish(s @ W0.T + b0)
    s = _swish(s @ W1.T + b1)
    s = _swish(s @ W2.T + b2)
    out = s @ W_out.T  # (n_node, out_dim)
    return out

if __name__ == "__main__":
    import jax
    _d = setup_inputs()
    print(jax.jit(kernel)(*tuple(_d.values())))

</pallas_src>

<mosaic_0001>
#map = affine_map<(d0, d1) -> (0, 0)>
#map1 = affine_map<(d0, d1) -> (0)>
module attributes {stable_mosaic.version = 14 : i64} {
  func.func @scat(%arg0: i32, %arg1: i32, %arg2: memref<320000x128xf32, #tpu.memory_space<hbm>>, %arg3: memref<320000xi32, #tpu.memory_space<hbm>>, %arg4: memref<640x128xf32, #tpu.memory_space<hbm>>, %arg5: memref<10000x128xf32, #tpu.memory_space<hbm>>, %arg6: memref<10000x128xf32, #tpu.memory_space<hbm>>, %arg7: memref<80x128xf32, #tpu.memory_space<vmem>>, %arg8: memref<80x128xf32, #tpu.memory_space<vmem>>, %arg9: memref<80xi32, #tpu.memory_space<vmem>>, %arg10: memref<80xi32, #tpu.memory_space<vmem>>, %arg11: memref<10000x128xf32, #tpu.memory_space<vmem_shared>>, %arg12: memref<!tpu.dma_semaphore, #tpu.memory_space<semaphore_mem>>, %arg13: memref<!tpu.dma_semaphore, #tpu.memory_space<semaphore_mem>>) attributes {dimension_semantics = [#tpu.dimension_semantics<core_parallel>, #tpu.dimension_semantics<subcore_parallel>], iteration_bounds = array<i64: 2, 16>, scalar_prefetch = 0 : i64, scratch_operands = 7 : i64, tpu.core_type = #tpu.core_type<sc_vector_subcore>, window_params = [{transform_indices = #map}, {transform_indices = #map1}, {transform_indices = #map}, {transform_indices = #map}, {transform_indices = #map}]} {
    %mul3A = arith.constant 16 : i32
    %mul3A_0 = arith.muli %arg0, %mul3A : i32
    %add3A = arith.addi %mul3A_0, %arg1 : i32
    %mul3A_1 = arith.constant 10000 : i32
    %mul3A_2 = arith.muli %add3A, %mul3A_1 : i32
    %mul3A_3 = arith.constant 624 : i32
    %mul3A_4 = arith.muli %arg1, %mul3A_3 : i32
    %lt3A = arith.constant 15 : i32
    %lt3A_5 = arith.cmpi slt, %arg1, %lt3A : i32
    %convert_element_type3A = arith.extui %lt3A_5 : i1 to i32
    %cond3A = arith.constant 0 : i32
    %cond3A_6 = arith.cmpi ne, %convert_element_type3A, %cond3A : i32
    scf.if %cond3A_6 {
      "tpu.region"() ({
        %run_scoped3A = tpu.sem_alloc : memref<!tpu.dma_semaphore, #tpu.memory_space<semaphore_mem>>
        %dma_start3A_43 = arith.constant 0 : i32
        %dma_start3A_44 = tpu.memref_slice %arg11[%mul3A_4, %dma_start3A_43] : memref<10000x128xf32, #tpu.memory_space<vmem_shared>> -> memref<624x128xf32, #tpu.memory_space<vmem_shared>>
        %dma_start3A_45 = arith.constant 0 : i32
        %dma_start3A_46 = arith.constant 0 : i32
        %dma_start3A_47 = tpu.memref_slice %arg4[%dma_start3A_45, %dma_start3A_46] : memref<640x128xf32, #tpu.memory_space<hbm>> -> memref<624x128xf32, #tpu.memory_space<hbm>>
        tpu.enqueue_dma source(%dma_start3A_47 : memref<624x128xf32, #tpu.memory_space<hbm>>) target(%dma_start3A_44 : memref<624x128xf32, #tpu.memory_space<vmem_shared>>) target_semaphore(%run_scoped3A : memref<!tpu.dma_semaphore, #tpu.memory_space<semaphore_mem>>)
        %dma_wait3A_48 = arith.constant 0 : i32
        %dma_wait3A_49 = tpu.memref_slice %arg11[%mul3A_4, %dma_wait3A_48] : memref<10000x128xf32, #tpu.memory_space<vmem_shared>> -> memref<624x128xf32, #tpu.memory_space<vmem_shared>>
        %dma_wait3A_50 = arith.constant 0 : i32
        %dma_wait3A_51 = arith.constant 0 : i32
        %dma_wait3A_52 = tpu.memref_slice %arg4[%dma_wait3A_50, %dma_wait3A_51] : memref<640x128xf32, #tpu.memory_space<hbm>> -> memref<624x128xf32, #tpu.memory_space<hbm>>
        tpu.wait_dma2 semaphore(%run_scoped3A : memref<!tpu.dma_semaphore, #tpu.memory_space<semaphore_mem>>) src(%dma_wait3A_52 : memref<624x128xf32, #tpu.memory_space<hbm>>) dst(%dma_wait3A_49 : memref<624x128xf32, #tpu.memory_space<vmem_shared>>)
        tpu.yield
      }) : () -> ()
    } else {
    }
    %eq3A = arith.constant 15 : i32
    %eq3A_7 = arith.cmpi eq, %arg1, %eq3A : i32
    %convert_element_type3A_8 = arith.extui %eq3A_7 : i1 to i32
    %cond3A_9 = arith.constant 0 : i32
    %cond3A_10 = arith.cmpi ne, %convert_element_type3A_8, %cond3A_9 : i32
    scf.if %cond3A_10 {
      "tpu.region"() ({
        %run_scoped3A = tpu.sem_alloc : memref<!tpu.dma_semaphore, #tpu.memory_space<semaphore_mem>>
        %dma_start3A_43 = arith.constant 9360 : i32
        %dma_start3A_44 = arith.constant 0 : i32
        %dma_start3A_45 = tpu.memref_slice %arg11[%dma_start3A_43, %dma_start3A_44] : memref<10000x128xf32, #tpu.memory_space<vmem_shared>> -> memref<640x128xf32, #tpu.memory_space<vmem_shared>>
        tpu.enqueue_dma source(%arg4 : memref<640x128xf32, #tpu.memory_space<hbm>>) target(%dma_start3A_45 : memref<640x128xf32, #tpu.memory_space<vmem_shared>>) target_semaphore(%run_scoped3A : memref<!tpu.dma_semaphore, #tpu.memory_space<semaphore_mem>>)
        %dma_wait3A_46 = arith.constant 9360 : i32
        %dma_wait3A_47 = arith.constant 0 : i32
        %dma_wait3A_48 = tpu.memref_slice %arg11[%dma_wait3A_46, %dma_wait3A_47] : memref<10000x128xf32, #tpu.memory_space<vmem_shared>> -> memref<640x128xf32, #tpu.memory_space<vmem_shared>>
        tpu.wait_dma2 semaphore(%run_scoped3A : memref<!tpu.dma_semaphore, #tpu.memory_space<semaphore_mem>>) src(%arg4 : memref<640x128xf32, #tpu.memory_space<hbm>>) dst(%dma_wait3A_48 : memref<640x128xf32, #tpu.memory_space<vmem_shared>>)
        tpu.yield
      }) : () -> ()
    } else {
    }
    %barrier3A = arith.constant 0 : index
    tpu.barrier barrier_id(%barrier3A)
    %add3A_11 = arith.constant 0 : i32
    %add3A_12 = arith.addi %mul3A_2, %add3A_11 : i32
    %dma_start3A = arith.constant 0 : i32
    %dma_start3A_13 = tpu.memref_slice %arg2[%add3A_12, %dma_start3A] : memref<320000x128xf32, #tpu.memory_space<hbm>> -> memref<80x128xf32, #tpu.memory_space<hbm>>
    %dma_start3A_14 = arith.constant 0 : i32
    %dma_start3A_15 = tpu.memref_slice %arg2[%add3A_12, %dma_start3A_14] : memref<320000x128xf32, #tpu.memory_space<hbm>> -> memref<80x128xf32, #tpu.memory_space<hbm>>
    tpu.enqueue_dma source(%dma_start3A_15 : memref<80x128xf32, #tpu.memory_space<hbm>>) target(%arg7 : memref<80x128xf32, #tpu.memory_space<vmem>>) target_semaphore(%arg12 : memref<!tpu.dma_semaphore, #tpu.memory_space<semaphore_mem>>)
    %dma_start3A_16 = tpu.memref_slice %arg3[%add3A_12] : memref<320000xi32, #tpu.memory_space<hbm>> -> memref<80xi32, #tpu.memory_space<hbm>>
    %dma_start3A_17 = tpu.memref_slice %arg3[%add3A_12] : memref<320000xi32, #tpu.memory_space<hbm>> -> memref<80xi32, #tpu.memory_space<hbm>>
    tpu.enqueue_dma source(%dma_start3A_17 : memref<80xi32, #tpu.memory_space<hbm>>) target(%arg9 : memref<80xi32, #tpu.memory_space<vmem>>) target_semaphore(%arg12 : memref<!tpu.dma_semaphore, #tpu.memory_space<semaphore_mem>>)
    %scan3A = arith.constant 0 : i32
    %scan3A_18 = arith.constant 0 : i32
    %scan3A_19 = arith.constant 62 : i32
    %scan3A_20 = arith.addi %scan3A_18, %scan3A_19 : i32
    %scan3A_21 = arith.constant 1 : i32
    scf.for %scan3A_43 = %scan3A_18 to %scan3A_20 step %scan3A_21  : i32 {
      %mul3A_44 = arith.constant 2 : i32
      %mul3A_45 = arith.muli %mul3A_44, %scan3A_43 : i32
      %add3A_46 = arith.constant 1 : i32
      %add3A_47 = arith.addi %mul3A_45, %add3A_46 : i32
      %mul3A_48 = arith.constant 80 : i32
      %mul3A_49 = arith.muli %add3A_47, %mul3A_48 : i32
      %add3A_50 = arith.addi %mul3A_2, %mul3A_49 : i32
      %dma_start3A_51 = arith.constant 0 : i32
      %dma_start3A_52 = tpu.memref_slice %arg2[%add3A_50, %dma_start3A_51] : memref<320000x128xf32, #tpu.memory_space<hbm>> -> memref<80x128xf32, #tpu.memory_space<hbm>>
      %dma_start3A_53 = arith.constant 0 : i32
      %dma_start3A_54 = tpu.memref_slice %arg2[%add3A_50, %dma_start3A_53] : memref<320000x128xf32, #tpu.memory_space<hbm>> -> memref<80x128xf32, #tpu.memory_space<hbm>>
      tpu.enqueue_dma source(%dma_start3A_54 : memref<80x128xf32, #tpu.memory_space<hbm>>) target(%arg8 : memref<80x128xf32, #tpu.memory_space<vmem>>) target_semaphore(%arg13 : memref<!tpu.dma_semaphore, #tpu.memory_space<semaphore_mem>>)
      %dma_start3A_55 = tpu.memref_slice %arg3[%add3A_50] : memref<320000xi32, #tpu.memory_space<hbm>> -> memref<80xi32, #tpu.memory_space<hbm>>
      %dma_start3A_56 = tpu.memref_slice %arg3[%add3A_50] : memref<320000xi32, #tpu.memory_space<hbm>> -> memref<80xi32, #tpu.memory_space<hbm>>
      tpu.enqueue_dma source(%dma_start3A_56 : memref<80xi32, #tpu.memory_space<hbm>>) target(%arg10 : memref<80xi32, #tpu.memory_space<vmem>>) target_semaphore(%arg13 : memref<!tpu.dma_semaphore, #tpu.memory_space<semaphore_mem>>)
      %dma_wait3A_57 = arith.constant 0 : i32
      %dma_wait3A_58 = arith.constant 0 : i32
      %dma_wait3A_59 = tpu.memref_slice %arg2[%dma_wait3A_57, %dma_wait3A_58] : memref<320000x128xf32, #tpu.memory_space<hbm>> -> memref<80x128xf32, #tpu.memory_space<hbm>>
      %dma_wait3A_60 = arith.constant 0 : i32
      %dma_wait3A_61 = arith.constant 0 : i32
      %dma_wait3A_62 = tpu.memref_slice %arg2[%dma_wait3A_60, %dma_wait3A_61] : memref<320000x128xf32, #tpu.memory_space<hbm>> -> memref<80x128xf32, #tpu.memory_space<hbm>>
      tpu.wait_dma2 semaphore(%arg12 : memref<!tpu.dma_semaphore, #tpu.memory_space<semaphore_mem>>) src(%dma_wait3A_62 : memref<80x128xf32, #tpu.memory_space<hbm>>) dst(%arg7 : memref<80x128xf32, #tpu.memory_space<vmem>>)
      %dma_wait3A_63 = arith.constant 0 : i32
      %dma_wait3A_64 = tpu.memref_slice %arg3[%dma_wait3A_63] : memref<320000xi32, #tpu.memory_space<hbm>> -> memref<80xi32, #tpu.memory_space<hbm>>
      %dma_wait3A_65 = arith.constant 0 : i32
      %dma_wait3A_66 = tpu.memref_slice %arg3[%dma_wait3A_65] : memref<320000xi32, #tpu.memory_space<hbm>> -> memref<80xi32, #tpu.memory_space<hbm>>
      tpu.wait_dma2 semaphore(%arg12 : memref<!tpu.dma_semaphore, #tpu.memory_space<semaphore_mem>>) src(%dma_wait3A_66 : memref<80xi32, #tpu.memory_space<hbm>>) dst(%arg9 : memref<80xi32, #tpu.memory_space<vmem>>)
      "tpu.region"() ({
        %run_scoped3A = tpu.sem_alloc : memref<!tpu.dma_semaphore, #tpu.memory_space<semaphore_mem>>
        %dma_start3A_88 = arith.constant 0 : i32
        %dma_start3A_89 = arith.constant 0 : i32
        %dma_start3A_90 = tpu.memref_slice %arg11[%dma_start3A_88, %dma_start3A_89] : memref<10000x128xf32, #tpu.memory_space<vmem_shared>> -> memref<10000x128xf32, #tpu.memory_space<vmem_shared>>
        tpu.enqueue_indirect_dma source(%arg7 : memref<80x128xf32, #tpu.memory_space<vmem>>) target(%dma_start3A_90 : memref<10000x128xf32, #tpu.memory_space<vmem_shared>>) offsets(%arg9 : memref<80xi32, #tpu.memory_space<vmem>>) semaphore(%run_scoped3A : memref<!tpu.dma_semaphore, #tpu.memory_space<semaphore_mem>>) {add = true}
        %dma_wait3A_91 = arith.constant 0 : i32
        %dma_wait3A_92 = arith.constant 0 : i32
        %dma_wait3A_93 = tpu.memref_slice %arg11[%dma_wait3A_91, %dma_wait3A_92] : memref<10000x128xf32, #tpu.memory_space<vmem_shared>> -> memref<10000x128xf32, #tpu.memory_space<vmem_shared>>
        tpu.wait_indirect_dma semaphore(%run_scoped3A : memref<!tpu.dma_semaphore, #tpu.memory_space<semaphore_mem>>) src(%arg7 : memref<80x128xf32, #tpu.memory_space<vmem>>) dst(%dma_wait3A_93 : memref<10000x128xf32, #tpu.memory_space<vmem_shared>>)
        tpu.yield
      }) : () -> ()
      %add3A_67 = arith.constant 2 : i32
      %add3A_68 = arith.addi %mul3A_45, %add3A_67 : i32
      %mul3A_69 = arith.constant 80 : i32
      %mul3A_70 = arith.muli %add3A_68, %mul3A_69 : i32
      %add3A_71 = arith.addi %mul3A_2, %mul3A_70 : i32
      %dma_start3A_72 = arith.constant 0 : i32
      %dma_start3A_73 = tpu.memref_slice %arg2[%add3A_71, %dma_start3A_72] : memref<320000x128xf32, #tpu.memory_space<hbm>> -> memref<80x128xf32, #tpu.memory_space<hbm>>
      %dma_start3A_74 = arith.constant 0 : i32
      %dma_start3A_75 = tpu.memref_slice %arg2[%add3A_71, %dma_start3A_74] : memref<320000x128xf32, #tpu.memory_space<hbm>> -> memref<80x128xf32, #tpu.memory_space<hbm>>
      tpu.enqueue_dma source(%dma_start3A_75 : memref<80x128xf32, #tpu.memory_space<hbm>>) target(%arg7 : memref<80x128xf32, #tpu.memory_space<vmem>>) target_semaphore(%arg12 : memref<!tpu.dma_semaphore, #tpu.memory_space<semaphore_mem>>)
      %dma_start3A_76 = tpu.memref_slice %arg3[%add3A_71] : memref<320000xi32, #tpu.memory_space<hbm>> -> memref<80xi32, #tpu.memory_space<hbm>>
      %dma_start3A_77 = tpu.memref_slice %arg3[%add3A_71] : memref<320000xi32, #tpu.memory_space<hbm>> -> memref<80xi32, #tpu.memory_space<hbm>>
      tpu.enqueue_dma source(%dma_start3A_77 : memref<80xi32, #tpu.memory_space<hbm>>) target(%arg9 : memref<80xi32, #tpu.memory_space<vmem>>) target_semaphore(%arg12 : memref<!tpu.dma_semaphore, #tpu.memory_space<semaphore_mem>>)
      %dma_wait3A_78 = arith.constant 0 : i32
      %dma_wait3A_79 = arith.constant 0 : i32
      %dma_wait3A_80 = tpu.memref_slice %arg2[%dma_wait3A_78, %dma_wait3A_79] : memref<320000x128xf32, #tpu.memory_space<hbm>> -> memref<80x128xf32, #tpu.memory_space<hbm>>
      %dma_wait3A_81 = arith.constant 0 : i32
      %dma_wait3A_82 = arith.constant 0 : i32
      %dma_wait3A_83 = tpu.memref_slice %arg2[%dma_wait3A_81, %dma_wait3A_82] : memref<320000x128xf32, #tpu.memory_space<hbm>> -> memref<80x128xf32, #tpu.memory_space<hbm>>
      tpu.wait_dma2 semaphore(%arg13 : memref<!tpu.dma_semaphore, #tpu.memory_space<semaphore_mem>>) src(%dma_wait3A_83 : memref<80x128xf32, #tpu.memory_space<hbm>>) dst(%arg8 : memref<80x128xf32, #tpu.memory_space<vmem>>)
      %dma_wait3A_84 = arith.constant 0 : i32
      %dma_wait3A_85 = tpu.memref_slice %arg3[%dma_wait3A_84] : memref<320000xi32, #tpu.memory_space<hbm>> -> memref<80xi32, #tpu.memory_space<hbm>>
      %dma_wait3A_86 = arith.constant 0 : i32
      %dma_wait3A_87 = tpu.memref_slice %arg3[%dma_wait3A_86] : memref<320000xi32, #tpu.memory_space<hbm>> -> memref<80xi32, #tpu.memory_space<hbm>>
      tpu.wait_dma2 semaphore(%arg13 : memref<!tpu.dma_semaphore, #tpu.memory_space<semaphore_mem>>) src(%dma_wait3A_87 : memref<80xi32, #tpu.memory_space<hbm>>) dst(%arg10 : memref<80xi32, #tpu.memory_space<vmem>>)
      "tpu.region"() ({
        %run_scoped3A = tpu.sem_alloc : memref<!tpu.dma_semaphore, #tpu.memory_space<semaphore_mem>>
        %dma_start3A_88 = arith.constant 0 : i32
        %dma_start3A_89 = arith.constant 0 : i32
        %dma_start3A_90 = tpu.memref_slice %arg11[%dma_start3A_88, %dma_start3A_89] : memref<10000x128xf32, #tpu.memory_space<vmem_shared>> -> memref<10000x128xf32, #tpu.memory_space<vmem_shared>>
        tpu.enqueue_indirect_dma source(%arg8 : memref<80x128xf32, #tpu.memory_space<vmem>>) target(%dma_start3A_90 : memref<10000x128xf32, #tpu.memory_space<vmem_shared>>) offsets(%arg10 : memref<80xi32, #tpu.memory_space<vmem>>) semaphore(%run_scoped3A : memref<!tpu.dma_semaphore, #tpu.memory_space<semaphore_mem>>) {add = true}
        %dma_wait3A_91 = arith.constant 0 : i32
        %dma_wait3A_92 = arith.constant 0 : i32
        %dma_wait3A_93 = tpu.memref_slice %arg11[%dma_wait3A_91, %dma_wait3A_92] : memref<10000x128xf32, #tpu.memory_space<vmem_shared>> -> memref<10000x128xf32, #tpu.memory_space<vmem_shared>>
        tpu.wait_indirect_dma semaphore(%run_scoped3A : memref<!tpu.dma_semaphore, #tpu.memory_space<semaphore_mem>>) src(%arg8 : memref<80x128xf32, #tpu.memory_space<vmem>>) dst(%dma_wait3A_93 : memref<10000x128xf32, #tpu.memory_space<vmem_shared>>)
        tpu.yield
      }) : () -> ()
    }
    %scan3A_22 = arith.constant 62 : i32
    %dma_wait3A = arith.constant 0 : i32
    %dma_wait3A_23 = arith.constant 0 : i32
    %dma_wait3A_24 = tpu.memref_slice %arg2[%dma_wait3A, %dma_wait3A_23] : memref<320000x128xf32, #tpu.memory_space<hbm>> -> memref<80x128xf32, #tpu.memory_space<hbm>>
    %dma_wait3A_25 = arith.constant 0 : i32
    %dma_wait3A_26 = arith.constant 0 : i32
    %dma_wait3A_27 = tpu.memref_slice %arg2[%dma_wait3A_25, %dma_wait3A_26] : memref<320000x128xf32, #tpu.memory_space<hbm>> -> memref<80x128xf32, #tpu.memory_space<hbm>>
    tpu.wait_dma2 semaphore(%arg12 : memref<!tpu.dma_semaphore, #tpu.memory_space<semaphore_mem>>) src(%dma_wait3A_27 : memref<80x128xf32, #tpu.memory_space<hbm>>) dst(%arg7 : memref<80x128xf32, #tpu.memory_space<vmem>>)
    %dma_wait3A_28 = arith.constant 0 : i32
    %dma_wait3A_29 = tpu.memref_slice %arg3[%dma_wait3A_28] : memref<320000xi32, #tpu.memory_space<hbm>> -> memref<80xi32, #tpu.memory_space<hbm>>
    %dma_wait3A_30 = arith.constant 0 : i32
    %dma_wait3A_31 = tpu.memref_slice %arg3[%dma_wait3A_30] : memref<320000xi32, #tpu.memory_space<hbm>> -> memref<80xi32, #tpu.memory_space<hbm>>
    tpu.wait_dma2 semaphore(%arg12 : memref<!tpu.dma_semaphore, #tpu.memory_space<semaphore_mem>>) src(%dma_wait3A_31 : memref<80xi32, #tpu.memory_space<hbm>>) dst(%arg9 : memref<80xi32, #tpu.memory_space<vmem>>)
    "tpu.region"() ({
      %run_scoped3A = tpu.sem_alloc : memref<!tpu.dma_semaphore, #tpu.memory_space<semaphore_mem>>
      %dma_start3A_43 = arith.constant 0 : i32
      %dma_start3A_44 = arith.constant 0 : i32
      %dma_start3A_45 = tpu.memref_slice %arg11[%dma_start3A_43, %dma_start3A_44] : memref<10000x128xf32, #tpu.memory_space<vmem_shared>> -> memref<10000x128xf32, #tpu.memory_space<vmem_shared>>
      tpu.enqueue_indirect_dma source(%arg7 : memref<80x128xf32, #tpu.memory_space<vmem>>) target(%dma_start3A_45 : memref<10000x128xf32, #tpu.memory_space<vmem_shared>>) offsets(%arg9 : memref<80xi32, #tpu.memory_space<vmem>>) semaphore(%run_scoped3A : memref<!tpu.dma_semaphore, #tpu.memory_space<semaphore_mem>>) {add = true}
      %dma_wait3A_46 = arith.constant 0 : i32
      %dma_wait3A_47 = arith.constant 0 : i32
      %dma_wait3A_48 = tpu.memref_slice %arg11[%dma_wait3A_46, %dma_wait3A_47] : memref<10000x128xf32, #tpu.memory_space<vmem_shared>> -> memref<10000x128xf32, #tpu.memory_space<vmem_shared>>
      tpu.wait_indirect_dma semaphore(%run_scoped3A : memref<!tpu.dma_semaphore, #tpu.memory_space<semaphore_mem>>) src(%arg7 : memref<80x128xf32, #tpu.memory_space<vmem>>) dst(%dma_wait3A_48 : memref<10000x128xf32, #tpu.memory_space<vmem_shared>>)
      tpu.yield
    }) : () -> ()
    %barrier3A_32 = arith.constant 0 : index
    tpu.barrier barrier_id(%barrier3A_32)
    %lt3A_33 = arith.constant 15 : i32
    %lt3A_34 = arith.cmpi slt, %arg1, %lt3A_33 : i32
    %convert_element_type3A_35 = arith.extui %lt3A_34 : i1 to i32
    %cond3A_36 = arith.constant 0 : i32
    %cond3A_37 = arith.cmpi ne, %convert_element_type3A_35, %cond3A_36 : i32
    scf.if %cond3A_37 {
      %eq3A_43 = arith.constant 0 : i32
      %eq3A_44 = arith.cmpi eq, %arg0, %eq3A_43 : i32
      %convert_element_type3A_45 = arith.extui %eq3A_44 : i1 to i32
      %cond3A_46 = arith.constant 0 : i32
      %cond3A_47 = arith.cmpi ne, %convert_element_type3A_45, %cond3A_46 : i32
      scf.if %cond3A_47 {
        "tpu.region"() ({
          %run_scoped3A = tpu.sem_alloc : memref<!tpu.dma_semaphore, #tpu.memory_space<semaphore_mem>>
          %dma_start3A_53 = arith.constant 0 : i32
          %dma_start3A_54 = tpu.memref_slice %arg5[%mul3A_4, %dma_start3A_53] : memref<10000x128xf32, #tpu.memory_space<hbm>> -> memref<624x128xf32, #tpu.memory_space<hbm>>
          %dma_start3A_55 = arith.constant 0 : i32
          %dma_start3A_56 = tpu.memref_slice %arg11[%mul3A_4, %dma_start3A_55] : memref<10000x128xf32, #tpu.memory_space<vmem_shared>> -> memref<624x128xf32, #tpu.memory_space<vmem_shared>>
          tpu.enqueue_dma source(%dma_start3A_56 : memref<624x128xf32, #tpu.memory_space<vmem_shared>>) target(%dma_start3A_54 : memref<624x128xf32, #tpu.memory_space<hbm>>) target_semaphore(%run_scoped3A : memref<!tpu.dma_semaphore, #tpu.memory_space<semaphore_mem>>)
          %dma_wait3A_57 = arith.constant 0 : i32
          %dma_wait3A_58 = tpu.memref_slice %arg5[%mul3A_4, %dma_wait3A_57] : memref<10000x128xf32, #tpu.memory_space<hbm>> -> memref<624x128xf32, #tpu.memory_space<hbm>>
          %dma_wait3A_59 = arith.constant 0 : i32
          %dma_wait3A_60 = tpu.memref_slice %arg11[%mul3A_4, %dma_wait3A_59] : memref<10000x128xf32, #tpu.memory_space<vmem_shared>> -> memref<624x128xf32, #tpu.memory_space<vmem_shared>>
          tpu.wait_dma2 semaphore(%run_scoped3A : memref<!tpu.dma_semaphore, #tpu.memory_space<semaphore_mem>>) src(%dma_wait3A_60 : memref<624x128xf32, #tpu.memory_space<vmem_shared>>) dst(%dma_wait3A_58 : memref<624x128xf32, #tpu.memory_space<hbm>>)
          tpu.yield
        }) : () -> ()
      } else {
      }
      %eq3A_48 = arith.constant 1 : i32
      %eq3A_49 = arith.cmpi eq, %arg0, %eq3A_48 : i32
      %convert_element_type3A_50 = arith.extui %eq3A_49 : i1 to i32
      %cond3A_51 = arith.constant 0 : i32
      %cond3A_52 = arith.cmpi ne, %convert_element_type3A_50, %cond3A_51 : i32
      scf.if %cond3A_52 {
        "tpu.region"() ({
          %run_scoped3A = tpu.sem_alloc : memref<!tpu.dma_semaphore, #tpu.memory_space<semaphore_mem>>
          %dma_start3A_53 = arith.constant 0 : i32
          %dma_start3A_54 = tpu.memref_slice %arg6[%mul3A_4, %dma_start3A_53] : memref<10000x128xf32, #tpu.memory_space<hbm>> -> memref<624x128xf32, #tpu.memory_space<hbm>>
          %dma_start3A_55 = arith.constant 0 : i32
          %dma_start3A_56 = tpu.memref_slice %arg11[%mul3A_4, %dma_start3A_55] : memref<10000x128xf32, #tpu.memory_space<vmem_shared>> -> memref<624x128xf32, #tpu.memory_space<vmem_shared>>
          tpu.enqueue_dma source(%dma_start3A_56 : memref<624x128xf32, #tpu.memory_space<vmem_shared>>) target(%dma_start3A_54 : memref<624x128xf32, #tpu.memory_space<hbm>>) target_semaphore(%run_scoped3A : memref<!tpu.dma_semaphore, #tpu.memory_space<semaphore_mem>>)
          %dma_wait3A_57 = arith.constant 0 : i32
          %dma_wait3A_58 = tpu.memref_slice %arg6[%mul3A_4, %dma_wait3A_57] : memref<10000x128xf32, #tpu.memory_space<hbm>> -> memref<624x128xf32, #tpu.memory_space<hbm>>
          %dma_wait3A_59 = arith.constant 0 : i32
          %dma_wait3A_60 = tpu.memref_slice %arg11[%mul3A_4, %dma_wait3A_59] : memref<10000x128xf32, #tpu.memory_space<vmem_shared>> -> memref<624x128xf32, #tpu.memory_space<vmem_shared>>
          tpu.wait_dma2 semaphore(%run_scoped3A : memref<!tpu.dma_semaphore, #tpu.memory_space<semaphore_mem>>) src(%dma_wait3A_60 : memref<624x128xf32, #tpu.memory_space<vmem_shared>>) dst(%dma_wait3A_58 : memref<624x128xf32, #tpu.memory_space<hbm>>)
          tpu.yield
        }) : () -> ()
      } else {
      }
    } else {
    }
    %eq3A_38 = arith.constant 15 : i32
    %eq3A_39 = arith.cmpi eq, %arg1, %eq3A_38 : i32
    %convert_element_type3A_40 = arith.extui %eq3A_39 : i1 to i32
    %cond3A_41 = arith.constant 0 : i32
    %cond3A_42 = arith.cmpi ne, %convert_element_type3A_40, %cond3A_41 : i32
    scf.if %cond3A_42 {
      %eq3A_43 = arith.constant 0 : i32
      %eq3A_44 = arith.cmpi eq, %arg0, %eq3A_43 : i32
      %convert_element_type3A_45 = arith.extui %eq3A_44 : i1 to i32
      %cond3A_46 = arith.constant 0 : i32
      %cond3A_47 = arith.cmpi ne, %convert_element_type3A_45, %cond3A_46 : i32
      scf.if %cond3A_47 {
        "tpu.region"() ({
          %run_scoped3A = tpu.sem_alloc : memref<!tpu.dma_semaphore, #tpu.memory_space<semaphore_mem>>
          %dma_start3A_53 = arith.constant 9360 : i32
          %dma_start3A_54 = arith.constant 0 : i32
          %dma_start3A_55 = tpu.memref_slice %arg5[%dma_start3A_53, %dma_start3A_54] : memref<10000x128xf32, #tpu.memory_space<hbm>> -> memref<640x128xf32, #tpu.memory_space<hbm>>
          %dma_start3A_56 = arith.constant 9360 : i32
          %dma_start3A_57 = arith.constant 0 : i32
          %dma_start3A_58 = tpu.memref_slice %arg11[%dma_start3A_56, %dma_start3A_57] : memref<10000x128xf32, #tpu.memory_space<vmem_shared>> -> memref<640x128xf32, #tpu.memory_space<vmem_shared>>
          tpu.enqueue_dma source(%dma_start3A_58 : memref<640x128xf32, #tpu.memory_space<vmem_shared>>) target(%dma_start3A_55 : memref<640x128xf32, #tpu.memory_space<hbm>>) target_semaphore(%run_scoped3A : memref<!tpu.dma_semaphore, #tpu.memory_space<semaphore_mem>>)
          %dma_wait3A_59 = arith.constant 9360 : i32
          %dma_wait3A_60 = arith.constant 0 : i32
          %dma_wait3A_61 = tpu.memref_slice %arg5[%dma_wait3A_59, %dma_wait3A_60] : memref<10000x128xf32, #tpu.memory_space<hbm>> -> memref<640x128xf32, #tpu.memory_space<hbm>>
          %dma_wait3A_62 = arith.constant 9360 : i32
          %dma_wait3A_63 = arith.constant 0 : i32
          %dma_wait3A_64 = tpu.memref_slice %arg11[%dma_wait3A_62, %dma_wait3A_63] : memref<10000x128xf32, #tpu.memory_space<vmem_shared>> -> memref<640x128xf32, #tpu.memory_space<vmem_shared>>
          tpu.wait_dma2 semaphore(%run_scoped3A : memref<!tpu.dma_semaphore, #tpu.memory_space<semaphore_mem>>) src(%dma_wait3A_64 : memref<640x128xf32, #tpu.memory_space<vmem_shared>>) dst(%dma_wait3A_61 : memref<640x128xf32, #tpu.memory_space<hbm>>)
          tpu.yield
        }) : () -> ()
      } else {
      }
      %eq3A_48 = arith.constant 1 : i32
      %eq3A_49 = arith.cmpi eq, %arg0, %eq3A_48 : i32
      %convert_element_type3A_50 = arith.extui %eq3A_49 : i1 to i32
      %cond3A_51 = arith.constant 0 : i32
      %cond3A_52 = arith.cmpi ne, %convert_element_type3A_50, %cond3A_51 : i32
      scf.if %cond3A_52 {
        "tpu.region"() ({
          %run_scoped3A = tpu.sem_alloc : memref<!tpu.dma_semaphore, #tpu.memory_space<semaphore_mem>>
          %dma_start3A_53 = arith.constant 9360 : i32
          %dma_start3A_54 = arith.constant 0 : i32
          %dma_start3A_55 = tpu.memref_slice %arg6[%dma_start3A_53, %dma_start3A_54] : memref<10000x128xf32, #tpu.memory_space<hbm>> -> memref<640x128xf32, #tpu.memory_space<hbm>>
          %dma_start3A_56 = arith.constant 9360 : i32
          %dma_start3A_57 = arith.constant 0 : i32
          %dma_start3A_58 = tpu.memref_slice %arg11[%dma_start3A_56, %dma_start3A_57] : memref<10000x128xf32, #tpu.memory_space<vmem_shared>> -> memref<640x128xf32, #tpu.memory_space<vmem_shared>>
          tpu.enqueue_dma source(%dma_start3A_58 : memref<640x128xf32, #tpu.memory_space<vmem_shared>>) target(%dma_start3A_55 : memref<640x128xf32, #tpu.memory_space<hbm>>) target_semaphore(%run_scoped3A : memref<!tpu.dma_semaphore, #tpu.memory_space<semaphore_mem>>)
          %dma_wait3A_59 = arith.constant 9360 : i32
          %dma_wait3A_60 = arith.constant 0 : i32
          %dma_wait3A_61 = tpu.memref_slice %arg6[%dma_wait3A_59, %dma_wait3A_60] : memref<10000x128xf32, #tpu.memory_space<hbm>> -> memref<640x128xf32, #tpu.memory_space<hbm>>
          %dma_wait3A_62 = arith.constant 9360 : i32
          %dma_wait3A_63 = arith.constant 0 : i32
          %dma_wait3A_64 = tpu.memref_slice %arg11[%dma_wait3A_62, %dma_wait3A_63] : memref<10000x128xf32, #tpu.memory_space<vmem_shared>> -> memref<640x128xf32, #tpu.memory_space<vmem_shared>>
          tpu.wait_dma2 semaphore(%run_scoped3A : memref<!tpu.dma_semaphore, #tpu.memory_space<semaphore_mem>>) src(%dma_wait3A_64 : memref<640x128xf32, #tpu.memory_space<vmem_shared>>) dst(%dma_wait3A_61 : memref<640x128xf32, #tpu.memory_space<hbm>>)
          tpu.yield
        }) : () -> ()
      } else {
      }
    } else {
    }
    return
  }
}

module attributes {stable_mosaic.version = 14 : i64} {
  func.func @_gate_body(%arg0: i32, %arg1: memref<8000x8xf32, #tpu.memory_space<vmem>>, %arg2: memref<8000x128xf32, #tpu.memory_space<vmem>>, %arg3: memref<8x128xf32, #tpu.memory_space<vmem>>, %arg4: memref<8000x128xf32, #tpu.memory_space<vmem>>) attributes {dimension_semantics = [#tpu.dimension_semantics<arbitrary>], iteration_bounds = array<i64: 40>, scalar_prefetch = 0 : i64, scratch_operands = 0 : i64, tpu.core_type = #tpu.core_type<tc>, window_params = [{transform_indices = @transform_0, window_bounds = array<i64: 8000, 8>}, {transform_indices = @transform_1, window_bounds = array<i64: 8000, 128>}, {pipeline_mode = #tpu.pipeline_mode<synchronous>, transform_indices = @transform_2, window_bounds = array<i64: 8, 128>}, {transform_indices = @transform_3, window_bounds = array<i64: 8000, 128>}]} {
    %get3A = arith.constant 0 : index
    %get3A_0 = arith.constant 0 : index
    %get3A_1 = vector.load %arg1[%get3A, %get3A_0] : memref<8000x8xf32, #tpu.memory_space<vmem>>, vector<8000x8xf32>
    %get3A_2 = arith.constant 0 : index
    %get3A_3 = arith.constant 0 : index
    %get3A_4 = vector.load %arg3[%get3A_2, %get3A_3] : memref<8x128xf32, #tpu.memory_space<vmem>>, vector<8x128xf32>
    %dot_general3A = arith.constant dense<0.000000e+00> : vector<8000x128xf32>
    %dot_general3A_5 = tpu.matmul %get3A_1, %get3A_4, %dot_general3A {dimension_numbers = #tpu.dot_dimension_numbers<[1], [0], [0], [1], [0, 0, 1, 1], [], []>, transpose_lhs_hint = false} : vector<8000x8xf32>, vector<8x128xf32>, vector<8000x128xf32> -> vector<8000x128xf32>
    %get3A_6 = arith.constant 0 : index
    %get3A_7 = arith.constant 0 : index
    %get3A_8 = vector.load %arg2[%get3A_6, %get3A_7] : memref<8000x128xf32, #tpu.memory_space<vmem>>, vector<8000x128xf32>
    %mul3A = arith.mulf %dot_general3A_5, %get3A_8 : vector<8000x128xf32>
    %swap3A = arith.constant 0 : index
    %swap3A_9 = arith.constant 0 : index
    %swap3A_10 = vector.load %arg4[%swap3A, %swap3A_9] : memref<8000x128xf32, #tpu.memory_space<vmem>>, vector<8000x128xf32>
    tpu.vector_store %arg4[%swap3A, %swap3A_9], %mul3A {strides = array<i32>} : memref<8000x128xf32, #tpu.memory_space<vmem>>, vector<8000x128xf32>,
    return
  }
  func.func @transform_0(%arg0: i32) -> (i32, i32) {
    %c0_i32 = arith.constant 0 : i32
    %c0_i32_0 = arith.constant 0 : i32
    return %arg0, %c0_i32 : i32, i32
  }
  func.func @transform_1(%arg0: i32) -> (i32, i32) {
    %c0_i32 = arith.constant 0 : i32
    %c0_i32_0 = arith.constant 0 : i32
    return %arg0, %c0_i32 : i32, i32
  }
  func.func @transform_2(%arg0: i32) -> (i32, i32) {
    %c0_i32 = arith.constant 0 : i32
    %c0_i32_0 = arith.constant 0 : i32
    %c0_i32_1 = arith.constant 0 : i32
    return %c0_i32, %c0_i32_0 : i32, i32
  }
  func.func @transform_3(%arg0: i32) -> (i32, i32) {
    %c0_i32 = arith.constant 0 : i32
    %c0_i32_0 = arith.constant 0 : i32
    return %arg0, %c0_i32 : i32, i32
  }
}

module attributes {stable_mosaic.version = 14 : i64} {
  func.func @_mlp_body(%arg0: i32, %arg1: memref<2000x128xf32, #tpu.memory_space<vmem>>, %arg2: memref<2000x128xf32, #tpu.memory_space<vmem>>, %arg3: memref<128x128xf32, #tpu.memory_space<vmem>>, %arg4: memref<1x128xf32, #tpu.memory_space<vmem>>, %arg5: memref<128x128xf32, #tpu.memory_space<vmem>>, %arg6: memref<1x128xf32, #tpu.memory_space<vmem>>, %arg7: memref<128x128xf32, #tpu.memory_space<vmem>>, %arg8: memref<1x128xf32, #tpu.memory_space<vmem>>, %arg9: memref<128x1xf32, #tpu.memory_space<vmem>>, %arg10: memref<2000x1xf32, #tpu.memory_space<vmem>>) attributes {dimension_semantics = [#tpu.dimension_semantics<arbitrary>], iteration_bounds = array<i64: 5>, scalar_prefetch = 0 : i64, scratch_operands = 0 : i64, tpu.core_type = #tpu.core_type<tc>, window_params = [{transform_indices = @transform_0, window_bounds = array<i64: 2000, 128>}, {transform_indices = @transform_1, window_bounds = array<i64: 2000, 128>}, {pipeline_mode = #tpu.pipeline_mode<synchronous>, transform_indices = @transform_2, window_bounds = array<i64: 128, 128>}, {pipeline_mode = #tpu.pipeline_mode<synchronous>, transform_indices = @transform_3, window_bounds = array<i64: 1, 128>}, {pipeline_mode = #tpu.pipeline_mode<synchronous>, transform_indices = @transform_4, window_bounds = array<i64: 128, 128>}, {pipeline_mode = #tpu.pipeline_mode<synchronous>, transform_indices = @transform_5, window_bounds = array<i64: 1, 128>}, {pipeline_mode = #tpu.pipeline_mode<synchronous>, transform_indices = @transform_6, window_bounds = array<i64: 128, 128>}, {pipeline_mode = #tpu.pipeline_mode<synchronous>, transform_indices = @transform_7, window_bounds = array<i64: 1, 128>}, {pipeline_mode = #tpu.pipeline_mode<synchronous>, transform_indices = @transform_8, window_bounds = array<i64: 128, 1>}, {transform_indices = @transform_9, window_bounds = array<i64: 2000, 1>}]} {
    %get3A = arith.constant 0 : index
    %get3A_0 = arith.constant 0 : index
    %get3A_1 = vector.load %arg1[%get3A, %get3A_0] : memref<2000x128xf32, #tpu.memory_space<vmem>>, vector<2000x128xf32>
    %get3A_2 = arith.constant 0 : index
    %get3A_3 = arith.constant 0 : index
    %get3A_4 = vector.load %arg2[%get3A_2, %get3A_3] : memref<2000x128xf32, #tpu.memory_space<vmem>>, vector<2000x128xf32>
    %add3A = arith.addf %get3A_1, %get3A_4 : vector<2000x128xf32>
    %get3A_5 = arith.constant 0 : index
    %get3A_6 = arith.constant 0 : index
    %get3A_7 = vector.load %arg3[%get3A_5, %get3A_6] : memref<128x128xf32, #tpu.memory_space<vmem>>, vector<128x128xf32>
    %dot_general3A = arith.constant dense<0.000000e+00> : vector<2000x128xf32>
    %dot_general3A_8 = tpu.matmul %add3A, %get3A_7, %dot_general3A {dimension_numbers = #tpu.dot_dimension_numbers<[1], [0], [0], [1], [0, 0, 1, 1], [], []>, transpose_lhs_hint = false} : vector<2000x128xf32>, vector<128x128xf32>, vector<2000x128xf32> -> vector<2000x128xf32>
    %get3A_9 = arith.constant 0 : index
    %get3A_10 = arith.constant 0 : index
    %get3A_11 = vector.load %arg4[%get3A_9, %get3A_10] : memref<1x128xf32, #tpu.memory_space<vmem>>, vector<1x128xf32>
    %add3A_12 = vector.broadcast %get3A_11 : vector<1x128xf32> to vector<2000x128xf32>
    %add3A_13 = arith.addf %dot_general3A_8, %add3A_12 : vector<2000x128xf32>
    %neg3A = arith.constant 0.000000e+00 : f32
    %neg3A_14 = vector.broadcast %neg3A : f32 to vector<2000x128xf32>
    %neg3A_15 = arith.subf %neg3A_14, %add3A_13 : vector<2000x128xf32>
    %exp3A = math.exp %neg3A_15 : vector<2000x128xf32>
    %add3A_16 = arith.constant 1.000000e+00 : f32
    %add3A_17 = vector.broadcast %add3A_16 : f32 to vector<2000x128xf32>
    %add3A_18 = arith.addf %add3A_17, %exp3A : vector<2000x128xf32>
    %div3A = arith.constant 1.000000e+00 : f32
    %div3A_19 = vector.broadcast %div3A : f32 to vector<2000x128xf32>
    %div3A_20 = arith.divf %div3A_19, %add3A_18 : vector<2000x128xf32>
    %mul3A = arith.mulf %add3A_13, %div3A_20 : vector<2000x128xf32>
    %get3A_21 = arith.constant 0 : index
    %get3A_22 = arith.constant 0 : index
    %get3A_23 = vector.load %arg5[%get3A_21, %get3A_22] : memref<128x128xf32, #tpu.memory_space<vmem>>, vector<128x128xf32>
    %dot_general3A_24 = arith.constant dense<0.000000e+00> : vector<2000x128xf32>
    %dot_general3A_25 = tpu.matmul %mul3A, %get3A_23, %dot_general3A_24 {dimension_numbers = #tpu.dot_dimension_numbers<[1], [0], [0], [1], [0, 0, 1, 1], [], []>, transpose_lhs_hint = false} : vector<2000x128xf32>, vector<128x128xf32>, vector<2000x128xf32> -> vector<2000x128xf32>
    %get3A_26 = arith.constant 0 : index
    %get3A_27 = arith.constant 0 : index
    %get3A_28 = vector.load %arg6[%get3A_26, %get3A_27] : memref<1x128xf32, #tpu.memory_space<vmem>>, vector<1x128xf32>
    %add3A_29 = vector.broadcast %get3A_28 : vector<1x128xf32> to vector<2000x128xf32>
    %add3A_30 = arith.addf %dot_general3A_25, %add3A_29 : vector<2000x128xf32>
    %neg3A_31 = arith.constant 0.000000e+00 : f32
    %neg3A_32 = vector.broadcast %neg3A_31 : f32 to vector<2000x128xf32>
    %neg3A_33 = arith.subf %neg3A_32, %add3A_30 : vector<2000x128xf32>
    %exp3A_34 = math.exp %neg3A_33 : vector<2000x128xf32>
    %add3A_35 = arith.constant 1.000000e+00 : f32
    %add3A_36 = vector.broadcast %add3A_35 : f32 to vector<2000x128xf32>
    %add3A_37 = arith.addf %add3A_36, %exp3A_34 : vector<2000x128xf32>
    %div3A_38 = arith.constant 1.000000e+00 : f32
    %div3A_39 = vector.broadcast %div3A_38 : f32 to vector<2000x128xf32>
    %div3A_40 = arith.divf %div3A_39, %add3A_37 : vector<2000x128xf32>
    %mul3A_41 = arith.mulf %add3A_30, %div3A_40 : vector<2000x128xf32>
    %get3A_42 = arith.constant 0 : index
    %get3A_43 = arith.constant 0 : index
    %get3A_44 = vector.load %arg7[%get3A_42, %get3A_43] : memref<128x128xf32, #tpu.memory_space<vmem>>, vector<128x128xf32>
    %dot_general3A_45 = arith.constant dense<0.000000e+00> : vector<2000x128xf32>
    %dot_general3A_46 = tpu.matmul %mul3A_41, %get3A_44, %dot_general3A_45 {dimension_numbers = #tpu.dot_dimension_numbers<[1], [0], [0], [1], [0, 0, 1, 1], [], []>, transpose_lhs_hint = false} : vector<2000x128xf32>, vector<128x128xf32>, vector<2000x128xf32> -> vector<2000x128xf32>
    %get3A_47 = arith.constant 0 : index
    %get3A_48 = arith.constant 0 : index
    %get3A_49 = vector.load %arg8[%get3A_47, %get3A_48] : memref<1x128xf32, #tpu.memory_space<vmem>>, vector<1x128xf32>
    %add3A_50 = vector.broadcast %get3A_49 : vector<1x128xf32> to vector<2000x128xf32>
    %add3A_51 = arith.addf %dot_general3A_46, %add3A_50 : vector<2000x128xf32>
    %neg3A_52 = arith.constant 0.000000e+00 : f32
    %neg3A_53 = vector.broadcast %neg3A_52 : f32 to vector<2000x128xf32>
    %neg3A_54 = arith.subf %neg3A_53, %add3A_51 : vector<2000x128xf32>
    %exp3A_55 = math.exp %neg3A_54 : vector<2000x128xf32>
    %add3A_56 = arith.constant 1.000000e+00 : f32
    %add3A_57 = vector.broadcast %add3A_56 : f32 to vector<2000x128xf32>
    %add3A_58 = arith.addf %add3A_57, %exp3A_55 : vector<2000x128xf32>
    %div3A_59 = arith.constant 1.000000e+00 : f32
    %div3A_60 = vector.broadcast %div3A_59 : f32 to vector<2000x128xf32>
    %div3A_61 = arith.divf %div3A_60, %add3A_58 : vector<2000x128xf32>
    %mul3A_62 = arith.mulf %add3A_51, %div3A_61 : vector<2000x128xf32>
    %get3A_63 = arith.constant 0 : index
    %get3A_64 = arith.constant 0 : index
    %get3A_65 = vector.load %arg9[%get3A_63, %get3A_64] : memref<128x1xf32, #tpu.memory_space<vmem>>, vector<128x1xf32>
    %dot_general3A_66 = arith.constant dense<0.000000e+00> : vector<2000x1xf32>
    %dot_general3A_67 = tpu.matmul %mul3A_62, %get3A_65, %dot_general3A_66 {dimension_numbers = #tpu.dot_dimension_numbers<[1], [0], [0], [1], [0, 0, 1, 1], [], []>, transpose_lhs_hint = false} : vector<2000x128xf32>, vector<128x1xf32>, vector<2000x1xf32> -> vector<2000x1xf32>
    %swap3A = arith.constant 0 : index
    %swap3A_68 = arith.constant 0 : index
    %swap3A_69 = vector.load %arg10[%swap3A, %swap3A_68] : memref<2000x1xf32, #tpu.memory_space<vmem>>, vector<2000x1xf32>
    tpu.vector_store %arg10[%swap3A, %swap3A_68], %dot_general3A_67 {strides = array<i32>} : memref<2000x1xf32, #tpu.memory_space<vmem>>, vector<2000x1xf32>,
    return
  }
  func.func @transform_0(%arg0: i32) -> (i32, i32) {
    %c0_i32 = arith.constant 0 : i32
    %c0_i32_0 = arith.constant 0 : i32
    return %arg0, %c0_i32 : i32, i32
  }
  func.func @transform_1(%arg0: i32) -> (i32, i32) {
    %c0_i32 = arith.constant 0 : i32
    %c0_i32_0 = arith.constant 0 : i32
    return %arg0, %c0_i32 : i32, i32
  }
  func.func @transform_2(%arg0: i32) -> (i32, i32) {
    %c0_i32 = arith.constant 0 : i32
    %c0_i32_0 = arith.constant 0 : i32
    %c0_i32_1 = arith.constant 0 : i32
    return %c0_i32, %c0_i32_0 : i32, i32
  }
  func.func @transform_3(%arg0: i32) -> (i32, i32) {
    %c0_i32 = arith.constant 0 : i32
    %c0_i32_0 = arith.constant 0 : i32
    %c0_i32_1 = arith.constant 0 : i32
    return %c0_i32, %c0_i32_0 : i32, i32
  }
  func.func @transform_4(%arg0: i32) -> (i32, i32) {
    %c0_i32 = arith.constant 0 : i32
    %c0_i32_0 = arith.constant 0 : i32
    %c0_i32_1 = arith.constant 0 : i32
    return %c0_i32, %c0_i32_0 : i32, i32
  }
  func.func @transform_5(%arg0: i32) -> (i32, i32) {
    %c0_i32 = arith.constant 0 : i32
    %c0_i32_0 = arith.constant 0 : i32
    %c0_i32_1 = arith.constant 0 : i32
    return %c0_i32, %c0_i32_0 : i32, i32
  }
  func.func @transform_6(%arg0: i32) -> (i32, i32) {
    %c0_i32 = arith.constant 0 : i32
    %c0_i32_0 = arith.constant 0 : i32
    %c0_i32_1 = arith.constant 0 : i32
    return %c0_i32, %c0_i32_0 : i32, i32
  }
  func.func @transform_7(%arg0: i32) -> (i32, i32) {
    %c0_i32 = arith.constant 0 : i32
    %c0_i32_0 = arith.constant 0 : i32
    %c0_i32_1 = arith.constant 0 : i32
    return %c0_i32, %c0_i32_0 : i32, i32
  }
  func.func @transform_8(%arg0: i32) -> (i32, i32) {
    %c0_i32 = arith.constant 0 : i32
    %c0_i32_0 = arith.constant 0 : i32
    %c0_i32_1 = arith.constant 0 : i32
    return %c0_i32, %c0_i32_0 : i32, i32
  }
  func.func @transform_9(%arg0: i32) -> (i32, i32) {
    %c0_i32 = arith.constant 0 : i32
    %c0_i32_0 = arith.constant 0 : i32
    return %arg0, %c0_i32 : i32, i32
  }
}

</mosaic_0001>

<sc_bundles>
// kernel: kernel.5.cloned.1.call-start
scs
__scs_entry_jumppad:
0x0: {  	(pc) =	sbr.rel $0x88, $3  }
0x1: {  	(tag) =	ssettag $0x0;
	lr =	simm.s32 $0x1  }
0x2: {  	[smem:$0x3F95] =	sst lr;
	_ =	strace $0xD0000000  }
0x3: {  	_ = 	snop  }
0x4: {  	_ = 	snop  }
0x5: {  	_ = 	snop  }
0x6: {  	_ = 	snop  }
0x7: {  	_ = 	snop  }
__scs_overlays_trampoline_lowered:
0x8: {  	[smem:$0x3FA4] =	sst s0  }
0x9: {  	[smem:$0x3FA5] =	sst s1  }
0xa: {  	[smem:$0x3FA6] =	sst s2  }
0xb: {  	[smem:$0x3FA7] =	sst s3  }
0xc: {  	[smem:$0x3FA8] =	sst s4  }
0xd: {  	[smem:$0x3FA9] =	sst s5  }
0xe: {  	[smem:$0x3FAA] =	sst s6  }
0xf: {  	[smem:$0x3FAB] =	sst s7  }
0x10: {  	[smem:$0x3FAC] =	sst s8  }
0x11: {  	[smem:$0x3FAD] =	sst s9;
	s0 =	simm.s32 @!p0 $0x0  }
0x12: {  	s1 =	sld [smem:$0x3F93];
	s0 =	simm.s32 @p0 $0x1  }
0x13: {  	[smem:$0x3FAE] =	sst s0;
	s0 =	simm.s32 @!p1 $0x0  }
0x14: {  	s2 =	sld [smem:$0x3F92];
	s0 =	simm.s32 @p1 $0x1  }
0x15: {  	[smem:$0x3FAF] =	sst s0;
	s0 =	simm.s32 @!p2 $0x0  }
0x16: {  	s3 =	sld [smem:$0x3FDB];
	s0 =	simm.s32 @p2 $0x1  }
0x17: {  	s4 =	simm.s32 $0x1BF5;
	[smem:$0x3FB1] =	sst s0  }
0x18: {  	s0 =	sld [smem:$0x3F94];
	_ =	swait.ge [sflag:s4], $0x0  }
0x19: {  	s7 =	sld [smem:$0x3F95]  }
0x1a: {  	s8 =	sadd.s32 $0xFFFFE003, lr  }
0x1b: {  	s9 =	sadd.s32 $0xFFFFFEF7, lr;
	s5 =	simm.s32 $0xFFFFFFFF;
	p2 =	slt.u32 s8, $0xFFFFF086  }
0x1c: {  	p1 =	slt.u32 s9, $0xF7A;
	s5 =	simm.s32 @!p2 $0x0  }
0x1d: {  	s5 =	simm.s32 @p1 $0x1;
	p0 =	seq.s32 s7, s2  }
0x1e: {  	s7 =	smul.u32 @!p0 $0xF7A, s2;
	p2 =	seq.s32 @!p0 s5, $0x0  }
0x1f: {  	s9 =	smul.u32 $0xF7A, s1;
	s8 =	simm.s32 @!p0 $0x1BF5;
	p2 =	por !p2, p0  }
0x20: {  	[sflag:s8] =	ssyncset.s32 @!p0 $0xFFFFF086;
	s6 =	sadd.s32 @!p0 s3, s7;
	s7 =	simm.s32 @!p0 $0x108  }
0x21: {  	s3 =	sadd.s32 s3, s9;
	s6 =	sadd.s32 @!p0 $0x88, s6;
	s7 =	simm.s32 @p2 $0x1082  }
0x22: {  	[simem:s7], [sflag:s8] =	dma.local @!p0 [hbm:s6], $0xF7A  }
0x23: {  	s9 =	sor.u32 $0xD0000000, s2;
	s6 =	simm.s32 $0x108;
	_ =	swait.ge @!p0 [sflag:s8], $0x0  }
0x24: {  	s3 =	sadd.s32 $0x88, s3;
	s6 =	simm.s32 @!p1 $0x1082;
	[sflag:s4] =	ssyncset.s32 $0xFFFFF086  }
0x25: {  	[simem:s6], [sflag:s4] =	dma.local [hbm:s3], $0xF7A  }
0x26: {  	[smem:$0x3F95] =	sst s1;
	(tag) =	ssettag s2;
	_ =	strace s9  }
0x27: {  	s1 =	sld [smem:$0x3FA5]  }
0x28: {  	s2 =	sld [smem:$0x3FA6]  }
0x29: {  	s4 =	sld [smem:$0x3FA8]  }
0x2a: {  	p0 =	seq.s32 s5, $0x0;
	s5 =	sld [smem:$0x3FA9]  }
0x2b: {  	s6 =	sld [smem:$0x3FAA]  }
0x2c: {  	s7 =	sld [smem:$0x3FAB]  }
0x2d: {  	s3 =	simm.s32 $0x108;
	s8 =	sld [smem:$0x3FAC]  }
0x2e: {  	s3 =	simm.s32 @!p0 $0x1082;
	s9 =	sld [smem:$0x3FAD]  }
0x2f: {  	lr =	sadd.s32 s0, s3;
	s0 =	sld [smem:$0x3FA4]  }
0x30: {  	s3 =	sld [smem:$0x3FA7]  }
0x31: {  	[smem:$0x3FB0] =	sst s10  }
0x32: {  	s10 =	sld [smem:$0x3FAE];
	_ =	sdelay $0x3  }
0x33: {  	p0 =	seq.s32 s10, $0x1;
	s10 =	sld [smem:$0x3FB0];
	_ =	sdelay $0x3  }
0x34: {  	[smem:$0x3FB0] =	sst s10  }
0x35: {  	s10 =	sld [smem:$0x3FAF];
	_ =	sdelay $0x3  }
0x36: {  	p1 =	seq.s32 s10, $0x1;
	s10 =	sld [smem:$0x3FB0];
	_ =	sdelay $0x3  }
0x37: {  	[smem:$0x3FB0] =	sst s10  }
0x38: {  	s10 =	sld [smem:$0x3FB1]  }
0x39: {  	_ = 	snop;
	(pc) =	sbr.ind lr, $3  }
0x3a: {  	_ = 	snop  }
0x3b: {  	_ = 	snop  }
0x3c: {  	p2 =	seq.s32 s10, $0x1;
	s10 =	sld [smem:$0x3FB0]  }
0x3d: {  	_ =	shalt  }
0x3e: {  	_ =	shalt  }
0x3f: {  	_ =	shalt  }
0x40: {  	_ =	shalt  }
0x41: {  	_ =	shalt  }
0x42: {  	_ =	shalt  }
0x43: {  	_ =	shalt  }
0x44: {  	_ =	shalt  }
0x45: {  	_ =	shalt  }
0x46: {  	_ =	shalt  }
0x47: {  	_ =	shalt  }
0x48: {  	_ =	shalt  }
0x49: {  	_ =	shalt  }
0x4a: {  	_ =	shalt  }
0x4b: {  	_ =	shalt  }
0x4c: {  	_ =	shalt  }
0x4d: {  	_ =	shalt  }
0x4e: {  	_ =	shalt  }
0x4f: {  	_ =	shalt  }
0x50: {  	_ =	shalt  }
0x51: {  	_ =	shalt  }
0x52: {  	_ =	shalt  }
0x53: {  	_ =	shalt  }
0x54: {  	_ =	shalt  }
0x55: {  	_ =	shalt  }
0x56: {  	_ =	shalt  }
0x57: {  	_ =	shalt  }
0x58: {  	_ =	shalt  }
0x59: {  	_ =	shalt  }
0x5a: {  	_ =	shalt  }
0x5b: {  	_ =	shalt  }
0x5c: {  	_ =	shalt  }
0x5d: {  	_ =	shalt  }
0x5e: {  	_ =	shalt  }
0x5f: {  	_ =	shalt  }
0x60: {  	_ =	shalt  }
0x61: {  	_ =	shalt  }
0x62: {  	_ =	shalt  }
0x63: {  	_ =	shalt  }
0x64: {  	_ =	shalt  }
0x65: {  	_ =	shalt  }
0x66: {  	_ =	shalt  }
0x67: {  	_ =	shalt  }
0x68: {  	_ =	shalt  }
0x69: {  	_ =	shalt  }
0x6a: {  	_ =	shalt  }
0x6b: {  	_ =	shalt  }
0x6c: {  	_ =	shalt  }
0x6d: {  	_ =	shalt  }
0x6e: {  	_ =	shalt  }
0x6f: {  	_ =	shalt  }
0x70: {  	_ =	shalt  }
0x71: {  	_ =	shalt  }
0x72: {  	_ =	shalt  }
0x73: {  	_ =	shalt  }
0x74: {  	_ =	shalt  }
0x75: {  	_ =	shalt  }
0x76: {  	_ =	shalt  }
0x77: {  	_ =	shalt  }
0x78: {  	_ =	shalt  }
0x79: {  	_ =	shalt  }
0x7a: {  	_ =	shalt  }
0x7b: {  	_ =	shalt  }
0x7c: {  	_ =	shalt  }
0x7d: {  	_ =	shalt  }
0x7e: {  	_ =	shalt  }
0x7f: {  	_ =	shalt  }
0x80: {  	_ =	shalt  }
0x81: {  	_ =	shalt  }
0x82: {  	_ =	shalt  }
0x83: {  	_ =	shalt  }
0x84: {  	_ =	shalt  }
0x85: {  	_ =	shalt  }
0x86: {  	_ =	shalt  }
0x87: {  	_ =	shalt  }
.Lfunc_end0:
.L_simem_size_0:
called_computation_lowered:
.L_overlay_start_0:
0x88: {  	s2 =	sld [smem:$0x3FD9]  }
0x89: {  	s3 =	sld [smem:$0x3FFE];
	_ =	sdelay $0x1  }
0x8a: {  	s1 =	srdreg.scid  }
0x8b: {  	s0 =	sand.u32 $0x1, s1  }
0x8c: {  	s16 =	sshll.u32 s0, $0xA;
	s2 =	sadd.s32 s3, s2  }
0x8d: {  	s2 =	sadd.s32 s2, s16  }
0x8e: {  	[smem:$0x3FBC] =	sst s2  }
0x8f: {  	_ = 	snop  }
0x90: {  	(tm) =	ssettm $0x1  }
0x91: {  	s17 =	sld [smem:$0x3FFB];
	_ =	sdelay $0x3  }
0x92: {  	_ =	strace s17  }
0x93: {  	s2 =	sld [smem:$0x3FFC];
	_ =	sdelay $0x3  }
0x94: {  	_ =	strace s2  }
0x95: {  	s2 =	sld [smem:$0x3FFD];
	_ =	sdelay $0x3  }
0x96: {  	_ =	strace s2  }
0x97: {  	_ =	strace $0x8FFFFFFF  }
0x98: {  	s18 =	sld [smem:$0x3FDB];
	_ =	sdelay $0x1  }
0x99: {  	s19 =	simm.s32 $_scs_section_size  }
0x9a: {  	s4 =	simm.s32 $_size__tile_overlayer_lowered;
	s5 =	simm.s32 $_tile_overlayer_lowered  }
0x9b: {  	s22 =	simm.s32 $0x1BFF;
	s21 =	sshll.u32 s5, $0x1;
	s2 =	sadd.s32 s19, s18  }
0x9c: {  	s6 =	simm.s32 $0x0;
	s20 =	sshll.u32 s4, $0x1;
	s4 =	sadd.s32 s21, s2  }
0x9d: {  	[timem:s6], [sflag:s22] =	dma.local [hbm:s4], s20  }
0x9e: {  	_ =	swait.ge [sflag:s22], s20  }
0x9f: {  	s3 =	ssub.s32 $0x0, s20;
	[sflag:s22] =	ssyncset.done $0x0  }
0xa0: {  	[sflag:s22] =	ssyncadd.s32 s3;
	_ =	sdelay $0x1  }
0xa1: {  	s23 =	simm.s32 $0x1B8B  }
0xa2: {  	_ =	swait.ge [sflag:s23], $0x1  }
0xa3: {  	[sflag:s23] =	ssyncset.done $0x0  }
0xa4: {  	s25 =	simm.s32 $0x1B8E;
	s24 =	sld [smem:$0x3FFE];
	[sflag:s23] =	ssyncadd.s32 $0xFFFFFFFF  }
0xa5: {  	s26 =	simm.s32 $execute0_lowered;
	[smem:$0x3FD2] =	sst s25  }
0xa6: {  	s4 =	sshll.u32 s26, $0x1;
	_ =	strace $0x80000046;
	[dreg:$0x1] =	wrdreg $0xFFFFFFFF  }
0xa7: {  	s28 =	simm.s32 $_size_execute0_lowered;
	s2 =	sadd.s32 s2, s4;
	[dreg:$0x0] =	wrdreg $0x0  }
0xa8: {  	s4 =	sshll.u32 s28, $0x1;
	[dreg:$0x2] =	wrdreg s2  }
0xa9: {  	[dreg:$0x3] =	wrdreg s4  }
0xaa: {  	[dreg:$0x4] =	wrdreg $0xC0  }
0xab: {  	_ =	task [dreg:s6], $0x5FFFF  }
0xac: {  	[dreg:$0x1] =	wrdreg $0xFFFFFFFF  }
0xad: {  	[dreg:$0x0] =	wrdreg $0x60  }
0xae: {  	[dreg:$0x2] =	wrdreg s24  }
0xaf: {  	[dreg:$0x3] =	wrdreg $0x51000  }
0xb0: {  	[dreg:$0x4] =	wrdreg $0x9  }
0xb1: {  	_ =	task.clear_ibuf [dreg:s6], $0x5FFFF;
	_ =	strace $0x90000046  }
0xb2: {  	s29 =	simm.s32 $0x9;
	_ =	strace $0x80000048  }
0xb3: {  	_ =	swait.ge [sflag:s29], $0x1  }
0xb4: {  	[sflag:s29] =	ssyncadd.s32 $0xFFFFFFFF  }
0xb5: {  	_ =	strace $0x90000048  }
0xb6: {  	_ =	sfence  }
0xb7: {  	s30 =	sld [smem:$0x0];
	_ =	sdelay $0x2  }
0xb8: {  	s31 =	sshll.u32 s1, $0xD;
	s1 =	sshrl.u32 s1, $0x2  }
0xb9: {  	s3 =	sand.u32 $0x4000, s31;
	s1 =	sadd.s32 s1, s30  }
0xba: {  	s0 =	sor.u32 s3, s0;
	s1 =	sshll.u32 s1, $0x11  }
0xbb: {  	s0 =	sor.u32 s1, s0  }
0xbc: {  	s0 =	sadd.s32 $0x8F2B, s0  }
0xbd: {  	[sflag:s0] =	ssyncadd.remote.s32 $0x1  }
0xbe: {  	_ =	sfence.sel $0xFFFF  }
0xbf: {  	[dreg:$0x0] =	wrdreg $0xFFFFFFFF;
	(pc) =	sbr.abs _section_cstart, $3  }
0xc0: {  	[dreg:$0x1] =	wrdreg $0xFFFFFFFF  }
0xc1: {  	_ =	task.clear_ibuf [dreg:s6], $0x2FFFF;
	_ =	strace $0x9FFFFFFF  }
0xc2: {  	(tm) =	ssettm $0x7FFFFFFF  }
0xc3: {  	_ =	shalt  }
tec
execute0_lowered:
.L_overlay_start_1:
0x0: {  	(tag) =	ssettag $0x1  }
0x1: {  	s0 =	rddreg [dreg:$0x0]  }
0x2: {  	s1 =	rddreg [dreg:$0x1];
	s3 =	simm.s32 $0x0;
	s2 =	stileid.u32  }
0x3: {  	s5 =	srdreg.scid;
	s21 =	simm.s32 $0x5000;
	s28 =	simm.s32 $0x2  }
0x4: {  	s29 =	simm.s32 $0x0;
	[smem:$0x7FF] =	sst s3;
	s6 =	smul.u32 $0x2700, s2  }
0x5: {  	s8 =	sadd.s32 $0x9C5E00, s0;
	s4 =	sadd.s32 $0x1E00, s0;
	s9 =	smul.u32 $0x4E000, s2  }
0x6: {  	s10 =	sand.u32 $0x1, s5;
	s5 =	sadd.s32 $0xBC00, s0;
	s17 =	smul.u32 $0x2710, s2  }
0x7: {  	s18 =	smul.u32 $0x27100, s2;
	p0 =	seq.s32 s2, $0xF;
	_ =	strace $0x80000047  }
0x8: {  	s7 =	sshll.u32 s10, $0x4;
	s22 =	ssub.s32 $0x2, s10;
	s15 =	smul.u32 $0x271000, s10  }
0x9: {  	s16 =	smul.u32 $0x27100, s10;
	p4 =	seq.s32 s10, $0x1;
	s11 =	sadd.s32 s6, s0  }
0xa: {  	s7 =	sor.u32 s2, s7;
	s12 =	sshrl.u32 s22, $0x1;
	s9 =	sshrl.u32 s9, $0x2  }
0xb: {  	p1 =	por !p4, !p0;
	p2 =	por p4, !p0;
	p3 =	por !p4, p0  }
0xc: {  	p4 =	por p4, p0;
	s13 =	smul.u32 $0x2710, s7;
	s14 =	ssub.s32 s22, s12  }
0xd: {  	s6 =	sadd.s32 s9, s1;
	s23 =	smul.u32 $0x27100, s7;
	s7 =	sadd.s32 $0x124800, s1  }
0xe: {  	s10 =	sadd.s32 $0xE400, s11;
	s11 =	sadd.s32 $0x35600, s11;
	s12 =	sadd.s32 $0x32D00, s0  }
0xf: {  	s26 =	sadd.s32 s15, s8;
	s30 =	sadd.s32 s17, s16;
	s22 =	simm.s32 $0x2800  }
0x10: {  	s14 =	smax.u32 s14, $0x1;
	s16 =	sadd.s32 $0x50, s30;
	s20 =	sshrl.u32 @!p0 s6, $0x3  }
0x11: {  	s24 =	sshrl.u32 s13, $0x3;
	s9 =	sadd.s32 s8, s23;
	s13 =	sadd.s32 $0x59F00, s0  }
0x12: {  	s0 =	sadd.s32 s18, s26;
	s31 =	sshrl.u32 s16, $0x3;
	s16 =	sadd.s32 $0xA0, s30  }
0x13: {  	s18 =	sshrl.u32 @p0 s7, $0x3;
	s23 =	simm.s32 $0x5080;
	s26 =	simm.s32 $0x3  }
0x14: {  	[dreg:$0x3] =	wrdreg s9;
	s25 =	sadd.s32 s4, s24;
	s15 =	sadd.s32 $0xA00, s0  }
0x15: {  	s17 =	sadd.s32 s31, s4;
	s0 =	sshll.u32 @!p0 s2, $0x6;
	s24 =	simm.s32 $0x1  }
0x16: {  	[dreg:$0x4] =	wrdreg s25;
	s19 =	sor.u32 @!p0 $0x1C03, s0;
	s25 =	simm.s32 $0x50  }
.LBB2_1:
0x17: {  	s0 =	simm.s32 @p0 $0x1FC3  }
0x18: {  	[spmem:s18], [sflag:s0] =	dma.local @p0 [hbm:s5], $0x2800  }
0x19: {  	s0 =	simm.s32 @p0 $0x3  }
0x1a: {  	_ =	swait.ge @p0 [sflag:s0], $0x2800  }
0x1b: {  	[sflag:s0] =	ssyncset.done @p0 $0x0  }
0x1c: {  	[sflag:s0] =	ssyncadd.s32 @p0 $0xFFFFD800;
	s0 =	simm.s32 @!p0 $0x3  }
0x1d: {  	[spmem:s20], [sflag:s19] =	dma.local @!p0 [hbm:s5], $0x2700  }
0x1e: {  	_ =	swait.ge @!p0 [sflag:s0], $0x2700  }
0x1f: {  	[sflag:s0] =	ssyncset.done @!p0 $0x0  }
0x20: {  	[sflag:s0] =	ssyncadd.s32 @!p0 $0xFFFFD900  }
0x21: {  	[bflag:$0x0] =	sbarrier.arrive $0xFFFF  }
0x22: {  	s8 =	rddreg [dreg:$0x3]  }
0x23: {  	[tilespmem:s3], [sflag:$0x1] =	stream.linear.gather [hbm4b:s8+s3], $0x2800, $0x38;
	[tilespmem:$0x18980] =	vst v63  }
0x24: {  	s9 =	rddreg [dreg:$0x4]  }
0x25: {  	[tilespmem:s21], [sflag:$0x1] =	stream.linear.gather [hbm4b:s9+s3], $0x50, $0x38;
	[tilespmem:$0x18980] =	vst v63  }
0x26: {  	s2 =	sadd.s32 $0xFFFFFB00, s15  }
0x27: {  	[tilespmem:s22], [sflag:$0x2] =	stream.linear.gather [hbm4b:s2+s3], $0x2800, $0x38;
	[tilespmem:$0x18980] =	vst v63  }
0x28: {  	s8 =	sadd.s32 $0x0, s17  }
0x29: {  	[tilespmem:s23], [sflag:$0x2] =	stream.linear.gather [hbm4b:s8+s3], $0x50, $0x38;
	[tilespmem:$0x18980] =	vst v63  }
0x2a: {  	_ =	swait.ge [sflag:s24], $0x2800  }
0x2b: {  	[sflag:s24] =	ssyncset.done $0x0  }
0x2c: {  	[sflag:s24] =	ssyncadd.s32 $0xFFFFD800  }
0x2d: {  	_ =	swait.ge [sflag:s24], $0x50  }
0x2e: {  	[sflag:s24] =	ssyncset.done $0x0  }
0x2f: {  	[sflag:s24] =	ssyncadd.s32 $0xFFFFFFB0  }
0x30: {  	[spmem:s1] =	stream.indirect.scatter.add.f32 [tilespmem:s3], [sflag:$0x3], $0x80, s21, s25, $0xb8;
	[tilespmem:$0x18980] =	vst v63  }
0x31: {  	_ =	swait.ge [sflag:s26], $0x2800  }
0x32: {  	[sflag:s26] =	ssyncset.done $0x0  }
0x33: {  	s9 =	sshrl.u32 s16, $0x3;
	[sflag:s26] =	ssyncadd.s32 $0xFFFFD800  }
0x34: {  	[tilespmem:s3], [sflag:$0x1] =	stream.linear.gather [hbm4b:s15+s3], $0x2800, $0x38;
	[tilespmem:$0x18980] =	vst v63  }
0x35: {  	s0 =	sadd.s32 s4, s9  }
0x36: {  	[tilespmem:s21], [sflag:$0x1] =	stream.linear.gather [hbm4b:s0+s3], $0x50, $0x38;
	[tilespmem:$0x18980] =	vst v63  }
0x37: {  	_ =	swait.ge [sflag:s28], $0x2800  }
0x38: {  	[sflag:s28] =	ssyncset.done $0x0  }
0x39: {  	[sflag:s28] =	ssyncadd.s32 $0xFFFFD800  }
0x3a: {  	_ =	swait.ge [sflag:s28], $0x50  }
0x3b: {  	[sflag:s28] =	ssyncset.done $0x0  }
0x3c: {  	[sflag:s28] =	ssyncadd.s32 $0xFFFFFFB0  }
0x3d: {  	[spmem:s1] =	stream.indirect.scatter.add.f32 [tilespmem:s22], [sflag:$0x3], $0x80, s23, s25, $0xb8;
	[tilespmem:$0x18980] =	vst v63  }
0x3e: {  	s30 =	sadd.s32 $0xA00, s15;
	s31 =	smov.u32 s16;
	_ =	swait.ge [sflag:s26], $0x2800  }
0x3f: {  	s8 =	simm.s32 $0x28;
	s0 =	simm.s32 $0x14;
	[sflag:s26] =	ssyncset.done $0x0  }
.LBB2_2:
0x40: {  	s9 =	sadd.s32 $0xFFFFFB00, s30  }
0x41: {  	[sflag:s26] =	ssyncadd.s32 $0xFFFFD800;
	s31 =	sadd.s32 $0xA0, s31;
	s2 =	smov.u32 s8  }
0x42: {  	[tilespmem:s22], [sflag:$0x2] =	stream.linear.gather [hbm4b:s9+s3], $0x2800, $0x38;
	[tilespmem:$0x18980] =	vst v63  }
0x43: {  	p5 =	sne.s32 s8, $0x4C4;
	s8 =	sadd.s32 $0x14, s8;
	s0 =	sadd.s32 s0, s17  }
0x44: {  	[tilespmem:s23], [sflag:$0x2] =	stream.linear.gather [hbm4b:s0+s3], $0x50, $0x38;
	[tilespmem:$0x18980] =	vst v63  }
0x45: {  	s0 =	smov.u32 s2;
	_ =	swait.ge [sflag:s24], $0x2800  }
0x46: {  	[sflag:s24] =	ssyncset.done $0x0  }
0x47: {  	[sflag:s24] =	ssyncadd.s32 $0xFFFFD800  }
0x48: {  	_ =	swait.ge [sflag:s24], $0x50  }
0x49: {  	[sflag:s24] =	ssyncset.done $0x0  }
0x4a: {  	[sflag:s24] =	ssyncadd.s32 $0xFFFFFFB0  }
0x4b: {  	[spmem:s1] =	stream.indirect.scatter.add.f32 [tilespmem:s3], [sflag:$0x3], $0x80, s21, s25, $0xb8;
	[tilespmem:$0x18980] =	vst v63  }
0x4c: {  	_ =	swait.ge [sflag:s26], $0x2800  }
0x4d: {  	[sflag:s26] =	ssyncset.done $0x0  }
0x4e: {  	s2 =	sshrl.u32 s31, $0x3;
	[sflag:s26] =	ssyncadd.s32 $0xFFFFD800  }
0x4f: {  	[tilespmem:s3], [sflag:$0x1] =	stream.linear.gather [hbm4b:s30+s3], $0x2800, $0x38;
	[tilespmem:$0x18980] =	vst v63  }
0x50: {  	s2 =	sadd.s32 s4, s2  }
0x51: {  	[tilespmem:s21], [sflag:$0x1] =	stream.linear.gather [hbm4b:s2+s3], $0x50, $0x38;
	[tilespmem:$0x18980] =	vst v63  }
0x52: {  	_ =	swait.ge [sflag:s28], $0x2800  }
0x53: {  	[sflag:s28] =	ssyncset.done $0x0  }
0x54: {  	[sflag:s28] =	ssyncadd.s32 $0xFFFFD800  }
0x55: {  	_ =	swait.ge [sflag:s28], $0x50  }
.Ltmp0:
0x56: {  	[sflag:s28] =	ssyncset.done $0x0;
	(pc) =	sbr.rel @p5 .LBB2_2-.Ltmp0, $4  }
0x57: {  	[sflag:s28] =	ssyncadd.s32 $0xFFFFFFB0  }
0x58: {  	[spmem:s1] =	stream.indirect.scatter.add.f32 [tilespmem:s22], [sflag:$0x3], $0x80, s23, s25, $0xb8;
	[tilespmem:$0x18980] =	vst v63  }
0x59: {  	_ =	swait.ge [sflag:s26], $0x2800  }
0x5a: {  	s30 =	sadd.s32 $0xA00, s30;
	[sflag:s26] =	ssyncset.done $0x0  }
0x5b: {  	s2 =	sadd.s32 $0xFFFFFB00, s30;
	[sflag:s26] =	ssyncadd.s32 $0xFFFFD800  }
0x5c: {  	[tilespmem:s22], [sflag:$0x2] =	stream.linear.gather [hbm4b:s2+s3], $0x2800, $0x38;
	[tilespmem:$0x18980] =	vst v63  }
0x5d: {  	s0 =	sadd.s32 s0, s17  }
0x5e: {  	[tilespmem:s23], [sflag:$0x2] =	stream.linear.gather [hbm4b:s0+s3], $0x50, $0x38;
	[tilespmem:$0x18980] =	vst v63  }
0x5f: {  	_ =	swait.ge [sflag:s24], $0x2800  }
0x60: {  	[sflag:s24] =	ssyncset.done $0x0  }
0x61: {  	[sflag:s24] =	ssyncadd.s32 $0xFFFFD800  }
0x62: {  	_ =	swait.ge [sflag:s24], $0x50  }
0x63: {  	[sflag:s24] =	ssyncset.done $0x0  }
0x64: {  	[sflag:s24] =	ssyncadd.s32 $0xFFFFFFB0  }
0x65: {  	[spmem:s1] =	stream.indirect.scatter.add.f32 [tilespmem:s3], [sflag:$0x3], $0x80, s21, s25, $0xb8;
	[tilespmem:$0x18980] =	vst v63  }
0x66: {  	_ =	swait.ge [sflag:s26], $0x2800  }
0x67: {  	s31 =	sadd.s32 $0xA0, s31;
	[sflag:s26] =	ssyncset.done $0x0  }
0x68: {  	s0 =	sshrl.u32 s31, $0x3;
	[sflag:s26] =	ssyncadd.s32 $0xFFFFD800  }
0x69: {  	[tilespmem:s3], [sflag:$0x1] =	stream.linear.gather [hbm4b:s30+s3], $0x2800, $0x38;
	[tilespmem:$0x18980] =	vst v63  }
0x6a: {  	s0 =	sadd.s32 s4, s0  }
0x6b: {  	[tilespmem:s21], [sflag:$0x1] =	stream.linear.gather [hbm4b:s0+s3], $0x50, $0x38;
	[tilespmem:$0x18980] =	vst v63  }
0x6c: {  	_ =	swait.ge [sflag:s28], $0x2800  }
0x6d: {  	[sflag:s28] =	ssyncset.done $0x0  }
0x6e: {  	[sflag:s28] =	ssyncadd.s32 $0xFFFFD800  }
0x6f: {  	_ =	swait.ge [sflag:s28], $0x50  }
0x70: {  	[sflag:s28] =	ssyncset.done $0x0  }
0x71: {  	[sflag:s28] =	ssyncadd.s32 $0xFFFFFFB0  }
0x72: {  	[spmem:s1] =	stream.indirect.scatter.add.f32 [tilespmem:s22], [sflag:$0x3], $0x80, s23, s25, $0xb8;
	[tilespmem:$0x18980] =	vst v63  }
0x73: {  	_ =	swait.ge [sflag:s26], $0x2800  }
0x74: {  	[sflag:s26] =	ssyncset.done $0x0  }
0x75: {  	[sflag:s26] =	ssyncadd.s32 $0xFFFFD800  }
0x76: {  	_ =	swait.ge [sflag:s24], $0x2800  }
0x77: {  	[sflag:s24] =	ssyncset.done $0x0  }
0x78: {  	[sflag:s24] =	ssyncadd.s32 $0xFFFFD800  }
0x79: {  	_ =	swait.ge [sflag:s24], $0x50  }
0x7a: {  	[sflag:s24] =	ssyncset.done $0x0  }
0x7b: {  	[sflag:s24] =	ssyncadd.s32 $0xFFFFFFB0  }
0x7c: {  	[spmem:s1] =	stream.indirect.scatter.add.f32 [tilespmem:s3], [sflag:$0x3], $0x80, s21, s25, $0xb8;
	[tilespmem:$0x18980] =	vst v63  }
0x7d: {  	_ =	swait.ge [sflag:s26], $0x2800  }
0x7e: {  	[sflag:s26] =	ssyncset.done $0x0  }
0x7f: {  	[sflag:s26] =	ssyncadd.s32 $0xFFFFD800  }
0x80: {  	s2 =	simm.s32 @!p1 $0x1FC3;
	s0 =	sshrl.u32 @!p1 s7, $0x3;
	[bflag:$0x0] =	sbarrier.arrive $0xFFFF  }
0x81: {  	[hbm:s13], [sflag:s2] =	dma.local @!p1 [spmem:s0], $0x2800  }
0x82: {  	s0 =	simm.s32 @!p1 $0x3  }
0x83: {  	_ =	swait.ge @!p1 [sflag:s0], $0x2800  }
0x84: {  	[sflag:s0] =	ssyncset.done @!p1 $0x0  }
0x85: {  	s2 =	simm.s32 @!p2 $0x1FC3;
	[sflag:s0] =	ssyncadd.s32 @!p1 $0xFFFFD800;
	s0 =	sshrl.u32 @!p2 s7, $0x3  }
0x86: {  	[hbm:s12], [sflag:s2] =	dma.local @!p2 [spmem:s0], $0x2800  }
0x87: {  	s0 =	simm.s32 @!p2 $0x3  }
0x88: {  	s9 =	stileid.u32;
	_ =	swait.ge @!p2 [sflag:s0], $0x2800  }
0x89: {  	s2 =	sshll.u32 @!p3 s9, $0x6;
	[sflag:s0] =	ssyncset.done @!p2 $0x0  }
0x8a: {  	[sflag:s0] =	ssyncadd.s32 @!p2 $0xFFFFD800;
	s0 =	sor.u32 @!p3 $0x1C03, s2;
	s2 =	sshrl.u32 @!p3 s6, $0x3  }
0x8b: {  	[hbm:s11], [sflag:s0] =	dma.local @!p3 [spmem:s2], $0x2700  }
0x8c: {  	s0 =	simm.s32 @!p3 $0x3  }
0x8d: {  	s29 =	sadd.s32 $0x1, s29;
	_ =	swait.ge @!p3 [sflag:s0], $0x2700  }
0x8e: {  	p5 =	sne.s32 s29, s14;
	s2 =	sshll.u32 @!p4 s9, $0x6;
	[sflag:s0] =	ssyncset.done @!p3 $0x0  }
0x8f: {  	[sflag:s0] =	ssyncadd.s32 @!p3 $0xFFFFD900;
	s0 =	sor.u32 @!p4 $0x1C03, s2;
	s2 =	sshrl.u32 @!p4 s6, $0x3  }
0x90: {  	[hbm:s10], [sflag:s0] =	dma.local @!p4 [spmem:s2], $0x2700  }
.Ltmp1:
0x91: {  	_ = 	snop;
	(pc) =	sbr.rel @p5 .LBB2_1-.Ltmp1, $4  }
0x92: {  	s0 =	simm.s32 @!p4 $0x3  }
0x93: {  	_ =	swait.ge @!p4 [sflag:s0], $0x2700  }
0x94: {  	[sflag:s0] =	ssyncset.done @!p4 $0x0  }
0x95: {  	s8 =	stileid.u32;
	[sflag:s0] =	ssyncadd.s32 @!p4 $0xFFFFD900  }
0x96: {  	_ =	sfence.sel $0x180000  }
0x97: {  	[bflag:$0x0] =	sbarrier.arrive $0xFFFF  }
0x98: {  	_ =	strace $0x90000047  }
0x99: {  	[bflag:$0x2] =	sbarrier.arrive $0xFFFF  }
0x9a: {  	p0 =	sne.s32 s8, $0x0;
	s0 =	rddreg [dreg:$0x2]  }
0x9b: {  	s0 =	sadd.s32 @!p0 $0x100000, s0  }
0x9c: {  	[sflag:s0] =	ssyncadd.tile.s32 @!p0 $0x1;
	_ =	shalt  }
.Lfunc_end2:
_tile_overlayer_lowered:
.L_overlay_start_2:
0x9d: {  	(tag) =	ssettag $0x2  }
0x9e: {  	s0 =	rddreg [dreg:$0x0];
	s2 =	stileid.u32  }
0x9f: {  	s1 =	rddreg [dreg:$0x1];
	p0 =	sne.s32 s2, $0x0  }
0xa0: {  	s3 =	rddreg [dreg:$0x2];
	[bflag:$0x3] =	sbarrier.arrive $0xFFFF;
	s2 =	simm.s32 @!p0 $0x1C03  }
0xa1: {  	[timem:s3], [sflag:s2] =	dma.local @!p0 [hbm:s0], s1  }
0xa2: {  	s0 =	simm.s32 @!p0 $0x3  }
0xa3: {  	_ =	swait.ge @!p0 [sflag:s0], s1  }
0xa4: {  	s1 =	ssub.s32 @!p0 $0x0, s1;
	[sflag:s0] =	ssyncset.done @!p0 $0x0  }
0xa5: {  	[sflag:s0] =	ssyncadd.s32 @!p0 s1  }
0xa6: {  	[bflag:$0x3] =	sbarrier.arrive $0xFFFF  }
0xa7: {  	_ =	shalt  }

</sc_bundles>
